<compile_context>
chip_gen: v7x
topology: tpu7x:2x2x1
jax: 0.10.2.dev20260603
libtpu: 0.0.44.dev20260713+nightly
codegen_flags: <defaults>
</compile_context>

<pallas_src>
import functools

import jax
import jax.numpy as jnp
from jax import lax
from jax.experimental import pallas as pl
from jax.experimental.pallas import tpu as pltpu
from jax.experimental.pallas import tpu_sc as plsc

_B = 1024
_SCORE_T = 0.5
_IOU_T = 0.7
_SC_NW = 32


def _sc_sort_key(scores_p):
    npad = scores_p.shape[0]
    bpw = npad // _SC_NW
    mesh = plsc.VectorSubcoreMesh(core_axis_name="c", subcore_axis_name="s")

    @functools.partial(
        pl.kernel, mesh=mesh,
        out_type=jax.ShapeDtypeStruct((npad,), jnp.float32),
        scratch_types=[
            pltpu.VMEM((bpw,), jnp.float32),
            pltpu.VMEM((bpw,), jnp.float32),
        ],
    )
    def k(sc_hbm, key_hbm, sc_v, key_v):
        wid = lax.axis_index("s") * 2 + lax.axis_index("c")
        base = wid * bpw
        pltpu.sync_copy(sc_hbm.at[pl.ds(base, bpw)], sc_v)

        def body(g, _):
            v = sc_v[pl.ds(g * 16, 16)]
            key_v[pl.ds(g * 16, 16)] = jnp.where(v > _SCORE_T, -v, jnp.inf)
            return 0

        lax.fori_loop(0, bpw // 16, body, 0, unroll=8)
        pltpu.sync_copy(key_v, key_hbm.at[pl.ds(base, bpw)])

    return k(scores_p)


def _iou_tile(rx1, ry1, rx2, ry2, ra, cx1, cy1, cx2, cy2, ca):
    ix1 = jnp.maximum(rx1, cx1)
    iy1 = jnp.maximum(ry1, cy1)
    ix2 = jnp.minimum(rx2, cx2)
    iy2 = jnp.minimum(ry2, cy2)
    inter = jnp.maximum(ix2 - ix1, 0.0) * jnp.maximum(iy2 - iy1, 0.0)
    return inter / (ra + ca - inter + 1e-9)


def _matvec(k, mat):
    return lax.dot_general(k, mat, (((1,), (0,)), ((), ())),
                           preferred_element_type=jnp.float32)


def _nms_body(scal_ref, rows_ref, cols_ref, keep_ref):
    nb = scal_ref[0]
    nv = scal_ref[1]
    npad = keep_ref.shape[1]
    pos = lax.broadcasted_iota(jnp.int32, (1, npad), 1)
    keep_ref[...] = jnp.where(pos < nv, 1.0, 0.0)

    row_i = lax.broadcasted_iota(jnp.int32, (_B, _B), 0)
    col_i = lax.broadcasted_iota(jnp.int32, (_B, _B), 1)
    upper = row_i < col_i

    def outer(j, _):
        s = j * _B
        jx1 = cols_ref[pl.ds(s, _B), 0:1]
        jy1 = cols_ref[pl.ds(s, _B), 1:2]
        jx2 = cols_ref[pl.ds(s, _B), 2:3]
        jy2 = cols_ref[pl.ds(s, _B), 3:4]
        ja = (jx2 - jx1) * (jy2 - jy1)
        rx1 = rows_ref[0:1, pl.ds(s, _B)]
        ry1 = rows_ref[1:2, pl.ds(s, _B)]
        rx2 = rows_ref[2:3, pl.ds(s, _B)]
        ry2 = rows_ref[3:4, pl.ds(s, _B)]
        rar = (rx2 - rx1) * (ry2 - ry1)

        iou_jj = _iou_tile(jx1, jy1, jx2, jy2, ja, rx1, ry1, rx2, ry2, rar)
        confl = jnp.where((iou_jj > _IOU_T) & upper, 1.0, 0.0)

        init = keep_ref[0:1, pl.ds(s, _B)]

        def w_cond(carry):
            return carry[1]

        def w_body(carry):
            k, _ = carry
            cnt = _matvec(k, confl)
            nk = jnp.where(cnt > 0.5, 0.0, init)
            changed = jnp.sum(jnp.abs(nk - k)) > 0.0
            return (nk, changed)

        kj, _ = lax.while_loop(w_cond, w_body, (init, jnp.bool_(True)))
        keep_ref[0:1, pl.ds(s, _B)] = kj

        def inner(t, _):
            u = t * _B
            cx1 = rows_ref[0:1, pl.ds(u, _B)]
            cy1 = rows_ref[1:2, pl.ds(u, _B)]
            cx2 = rows_ref[2:3, pl.ds(u, _B)]
            cy2 = rows_ref[3:4, pl.ds(u, _B)]
            car = (cx2 - cx1) * (cy2 - cy1)
            iou = _iou_tile(jx1, jy1, jx2, jy2, ja, cx1, cy1, cx2, cy2, car)
            confl2 = jnp.where(iou > _IOU_T, 1.0, 0.0)
            cnt = _matvec(kj, confl2)
            cur = keep_ref[0:1, pl.ds(u, _B)]
            keep_ref[0:1, pl.ds(u, _B)] = jnp.where(cnt > 0.5, 0.0, cur)
            return 0

        lax.fori_loop(j + 1, nb, inner, 0)
        return 0

    lax.fori_loop(0, nb, outer, 0)


def _run_nms(scal, rows, cols):
    npad = rows.shape[1]
    return pl.pallas_call(
        _nms_body,
        out_shape=jax.ShapeDtypeStruct((1, npad), jnp.float32),
        in_specs=[
            pl.BlockSpec(memory_space=pltpu.SMEM),
            pl.BlockSpec(memory_space=pltpu.VMEM),
            pl.BlockSpec(memory_space=pltpu.VMEM),
        ],
        out_specs=pl.BlockSpec(memory_space=pltpu.VMEM),
    )(scal, rows, cols)


def kernel(boxes, scores):
    n = boxes.shape[0]
    npad = ((n + _B - 1) // _B) * _B
    scores_p = jnp.pad(scores, (0, npad - n))
    key_p = _sc_sort_key(scores_p)
    order_p = jnp.argsort(key_p)
    nv = jnp.sum((scores > _SCORE_T).astype(jnp.int32))
    nb = (nv + _B - 1) // _B
    scal = jnp.stack([nb, nv])

    boxes_s = jnp.take(boxes, order_p, axis=0)
    keep_s = _run_nms(scal, boxes_s.T, boxes_s)[0]
    keep = jnp.zeros((n,), jnp.float32).at[order_p].set(keep_s, mode="drop")
    return jnp.concatenate([boxes * keep[:, None], (scores * keep)[:, None]],
                           axis=1)

# --- scband reference (transcript-rebuilt; emitter-appended) ---
"""Pipeline reference for scband-rpn-54314156425503 (READ-ONLY COPY).

The authoritative reference and input builder live on the scoring server;
editing this copy changes nothing except your own understanding.
"""

import jax, jax.numpy as jnp
import numpy as np

N = 20000
SCORE_THRESH = 0.5
IOU_THRESH = 0.7


def setup_inputs(seed: int = 0) -> dict:
    key = jax.random.key(seed)
    k1, k2, k3 = jax.random.split(key, 3)
    # realistic proposal boxes in a ~1000x1000 image: x1y1 + positive wh
    xy1 = jax.random.uniform(k1, (N, 2), dtype=jnp.float32) * 900.0
    wh = jax.random.uniform(k2, (N, 2), dtype=jnp.float32) * 100.0 + 1.0
    boxes = jnp.concatenate([xy1, xy1 + wh], axis=1).astype(jnp.float32)
    scores = jax.random.uniform(k3, (N,), dtype=jnp.float32)
    return {"boxes": boxes, "scores": scores}


def _iou_one_vs_all(box, boxes):
    x1 = jnp.maximum(box[0], boxes[:, 0])
    y1 = jnp.maximum(box[1], boxes[:, 1])
    x2 = jnp.minimum(box[2], boxes[:, 2])
    y2 = jnp.minimum(box[3], boxes[:, 3])
    inter = jnp.clip(x2 - x1, 0.0) * jnp.clip(y2 - y1, 0.0)
    area_a = (box[2] - box[0]) * (box[3] - box[1])
    area_b = (boxes[:, 2] - boxes[:, 0]) * (boxes[:, 3] - boxes[:, 1])
    return inter / (area_a + area_b - inter + 1e-9)


def _nms_keep(boxes, scores, score_thresh, iou_thresh):
    # mirrors RPN.inference: mask1 = conf > thresh, then greedy NMS (torchvision semantics)
    n = boxes.shape[0]
    valid = scores > score_thresh
    sort_scores = jnp.where(valid, scores, -jnp.inf)
    order = jnp.argsort(-sort_scores)
    boxes_s = jnp.take(boxes, order, axis=0)
    valid_s = jnp.take(valid, order, axis=0)
    idx = jnp.arange(n)

    def body(i, keep):
        iou = _iou_one_vs_all(boxes_s[i], boxes_s)
        suppress = (iou > iou_thresh) & (idx > i)
        return jnp.where(keep[i], keep & (~suppress), keep)

    keep_sorted = jax.lax.fori_loop(0, n, body, valid_s)
    keep = jnp.zeros(n, dtype=bool).at[order].set(keep_sorted)
    return keep


def reference(boxes, scores):
    keep = _nms_keep(boxes, scores, SCORE_THRESH, IOU_THRESH)
    m = keep.astype(boxes.dtype)
    # fixed-shape output: surviving proposals (boxes, score) rows, suppressed rows zeroed
    out = jnp.concatenate([boxes * m[:, None], (scores * m)[:, None]], axis=1)
    return out

if __name__ == "__main__":
    import jax
    _d = setup_inputs()
    print(jax.jit(kernel)(*tuple(_d.values())))

</pallas_src>

<mosaic_0001>
#map = affine_map<(d0, d1) -> (0)>
module attributes {stable_mosaic.version = 14 : i64} {
  func.func @k(%arg0: i32, %arg1: i32, %arg2: memref<20480xf32, #tpu.memory_space<hbm>>, %arg3: memref<20480xf32, #tpu.memory_space<hbm>>, %arg4: memref<640xf32, #tpu.memory_space<vmem>>, %arg5: memref<640xf32, #tpu.memory_space<vmem>>) attributes {dimension_semantics = [#tpu.dimension_semantics<core_parallel>, #tpu.dimension_semantics<subcore_parallel>], iteration_bounds = array<i64: 2, 16>, scalar_prefetch = 0 : i64, scratch_operands = 2 : i64, tpu.core_type = #tpu.core_type<sc_vector_subcore>, window_params = [{transform_indices = #map}, {transform_indices = #map}]} {
    %mul3A = arith.constant 2 : i32
    %mul3A_0 = arith.muli %arg1, %mul3A : i32
    %add3A = arith.addi %mul3A_0, %arg0 : i32
    %mul3A_1 = arith.constant 640 : i32
    %mul3A_2 = arith.muli %add3A, %mul3A_1 : i32
    "tpu.region"() ({
      %run_scoped3A = tpu.sem_alloc : memref<!tpu.dma_semaphore, #tpu.memory_space<semaphore_mem>>
      %dma_start3A = tpu.memref_slice %arg2[%mul3A_2] : memref<20480xf32, #tpu.memory_space<hbm>> -> memref<640xf32, #tpu.memory_space<hbm>>
      %dma_start3A_9 = tpu.memref_slice %arg2[%mul3A_2] : memref<20480xf32, #tpu.memory_space<hbm>> -> memref<640xf32, #tpu.memory_space<hbm>>
      tpu.enqueue_dma source(%dma_start3A_9 : memref<640xf32, #tpu.memory_space<hbm>>) target(%arg4 : memref<640xf32, #tpu.memory_space<vmem>>) target_semaphore(%run_scoped3A : memref<!tpu.dma_semaphore, #tpu.memory_space<semaphore_mem>>)
      %dma_wait3A = tpu.memref_slice %arg2[%mul3A_2] : memref<20480xf32, #tpu.memory_space<hbm>> -> memref<640xf32, #tpu.memory_space<hbm>>
      %dma_wait3A_10 = tpu.memref_slice %arg2[%mul3A_2] : memref<20480xf32, #tpu.memory_space<hbm>> -> memref<640xf32, #tpu.memory_space<hbm>>
      tpu.wait_dma2 semaphore(%run_scoped3A : memref<!tpu.dma_semaphore, #tpu.memory_space<semaphore_mem>>) src(%dma_wait3A_10 : memref<640xf32, #tpu.memory_space<hbm>>) dst(%arg4 : memref<640xf32, #tpu.memory_space<vmem>>)
      tpu.yield
    }) : () -> ()
    %scan3A = arith.constant 0 : i32
    %scan3A_3 = arith.constant 0 : i32
    %scan3A_4 = arith.constant 40 : i32
    %scan3A_5 = arith.addi %scan3A_3, %scan3A_4 : i32
    %scan3A_6 = arith.constant 8 : i32
    %scan3A_7 = scf.for %scan3A_9 = %scan3A_3 to %scan3A_5 step %scan3A_6 iter_args(%scan3A_10 = %scan3A) -> (i32)  : i32 {
      %mul3A_11 = arith.constant 16 : i32
      %mul3A_12 = arith.muli %scan3A_9, %mul3A_11 : i32
      %get3A = arith.index_cast %mul3A_12 : i32 to index
      %get3A_13 = tpu.vector_load %arg4[%get3A] {strides = array<i32>} : memref<640xf32, #tpu.memory_space<vmem>>, vector<16xf32>,
      %get3A_14 = vector.shape_cast %get3A_13 : vector<16xf32> to vector<16xf32>
      %gt3A = arith.constant 5.000000e-01 : f32
      %gt3A_15 = vector.broadcast %gt3A : f32 to vector<16xf32>
      %gt3A_16 = arith.cmpf ogt, %get3A_14, %gt3A_15 : vector<16xf32>
      %neg3A = arith.constant 0.000000e+00 : f32
      %neg3A_17 = vector.broadcast %neg3A : f32 to vector<16xf32>
      %neg3A_18 = arith.subf %neg3A_17, %get3A_14 : vector<16xf32>
      %jit3A = arith.constant 0x7F800000 : f32
      %broadcast_in_dim3A = vector.broadcast %jit3A : f32 to vector<16xf32>
      %select_n3A = arith.select %gt3A_16, %neg3A_18, %broadcast_in_dim3A : vector<16xi1>, vector<16xf32>
      %mul3A_19 = arith.constant 16 : i32
      %mul3A_20 = arith.muli %scan3A_9, %mul3A_19 : i32
      %swap3A = arith.index_cast %mul3A_20 : i32 to index
      %swap3A_21 = tpu.vector_load %arg5[%swap3A] {strides = array<i32>} : memref<640xf32, #tpu.memory_space<vmem>>, vector<16xf32>,
      %swap3A_22 = vector.shape_cast %swap3A_21 : vector<16xf32> to vector<16xf32>
      %swap3A_23 = vector.shape_cast %select_n3A : vector<16xf32> to vector<16xf32>
      tpu.vector_store %arg5[%swap3A], %swap3A_23 {strides = array<i32>} : memref<640xf32, #tpu.memory_space<vmem>>, vector<16xf32>,
      %scan3A_24 = arith.constant 0 : i32
      %scan3A_25 = arith.constant 1 : i32
      %scan3A_26 = arith.addi %scan3A_9, %scan3A_25 : i32
      %mul3A_27 = arith.constant 16 : i32
      %mul3A_28 = arith.muli %scan3A_26, %mul3A_27 : i32
      %get3A_29 = arith.index_cast %mul3A_28 : i32 to index
      %get3A_30 = tpu.vector_load %arg4[%get3A_29] {strides = array<i32>} : memref<640xf32, #tpu.memory_space<vmem>>, vector<16xf32>,
      %get3A_31 = vector.shape_cast %get3A_30 : vector<16xf32> to vector<16xf32>
      %gt3A_32 = arith.constant 5.000000e-01 : f32
      %gt3A_33 = vector.broadcast %gt3A_32 : f32 to vector<16xf32>
      %gt3A_34 = arith.cmpf ogt, %get3A_31, %gt3A_33 : vector<16xf32>
      %neg3A_35 = arith.constant 0.000000e+00 : f32
      %neg3A_36 = vector.broadcast %neg3A_35 : f32 to vector<16xf32>
      %neg3A_37 = arith.subf %neg3A_36, %get3A_31 : vector<16xf32>
      %jit3A_38 = arith.constant 0x7F800000 : f32
      %broadcast_in_dim3A_39 = vector.broadcast %jit3A_38 : f32 to vector<16xf32>
      %select_n3A_40 = arith.select %gt3A_34, %neg3A_37, %broadcast_in_dim3A_39 : vector<16xi1>, vector<16xf32>
      %mul3A_41 = arith.constant 16 : i32
      %mul3A_42 = arith.muli %scan3A_26, %mul3A_41 : i32
      %swap3A_43 = arith.index_cast %mul3A_42 : i32 to index
      %swap3A_44 = tpu.vector_load %arg5[%swap3A_43] {strides = array<i32>} : memref<640xf32, #tpu.memory_space<vmem>>, vector<16xf32>,
      %swap3A_45 = vector.shape_cast %swap3A_44 : vector<16xf32> to vector<16xf32>
      %swap3A_46 = vector.shape_cast %select_n3A_40 : vector<16xf32> to vector<16xf32>
      tpu.vector_store %arg5[%swap3A_43], %swap3A_46 {strides = array<i32>} : memref<640xf32, #tpu.memory_space<vmem>>, vector<16xf32>,
      %scan3A_47 = arith.constant 0 : i32
      %scan3A_48 = arith.constant 2 : i32
      %scan3A_49 = arith.addi %scan3A_9, %scan3A_48 : i32
      %mul3A_50 = arith.constant 16 : i32
      %mul3A_51 = arith.muli %scan3A_49, %mul3A_50 : i32
      %get3A_52 = arith.index_cast %mul3A_51 : i32 to index
      %get3A_53 = tpu.vector_load %arg4[%get3A_52] {strides = array<i32>} : memref<640xf32, #tpu.memory_space<vmem>>, vector<16xf32>,
      %get3A_54 = vector.shape_cast %get3A_53 : vector<16xf32> to vector<16xf32>
      %gt3A_55 = arith.constant 5.000000e-01 : f32
      %gt3A_56 = vector.broadcast %gt3A_55 : f32 to vector<16xf32>
      %gt3A_57 = arith.cmpf ogt, %get3A_54, %gt3A_56 : vector<16xf32>
      %neg3A_58 = arith.constant 0.000000e+00 : f32
      %neg3A_59 = vector.broadcast %neg3A_58 : f32 to vector<16xf32>
      %neg3A_60 = arith.subf %neg3A_59, %get3A_54 : vector<16xf32>
      %jit3A_61 = arith.constant 0x7F800000 : f32
      %broadcast_in_dim3A_62 = vector.broadcast %jit3A_61 : f32 to vector<16xf32>
      %select_n3A_63 = arith.select %gt3A_57, %neg3A_60, %broadcast_in_dim3A_62 : vector<16xi1>, vector<16xf32>
      %mul3A_64 = arith.constant 16 : i32
      %mul3A_65 = arith.muli %scan3A_49, %mul3A_64 : i32
      %swap3A_66 = arith.index_cast %mul3A_65 : i32 to index
      %swap3A_67 = tpu.vector_load %arg5[%swap3A_66] {strides = array<i32>} : memref<640xf32, #tpu.memory_space<vmem>>, vector<16xf32>,
      %swap3A_68 = vector.shape_cast %swap3A_67 : vector<16xf32> to vector<16xf32>
      %swap3A_69 = vector.shape_cast %select_n3A_63 : vector<16xf32> to vector<16xf32>
      tpu.vector_store %arg5[%swap3A_66], %swap3A_69 {strides = array<i32>} : memref<640xf32, #tpu.memory_space<vmem>>, vector<16xf32>,
      %scan3A_70 = arith.constant 0 : i32
      %scan3A_71 = arith.constant 3 : i32
      %scan3A_72 = arith.addi %scan3A_9, %scan3A_71 : i32
      %mul3A_73 = arith.constant 16 : i32
      %mul3A_74 = arith.muli %scan3A_72, %mul3A_73 : i32
      %get3A_75 = arith.index_cast %mul3A_74 : i32 to index
      %get3A_76 = tpu.vector_load %arg4[%get3A_75] {strides = array<i32>} : memref<640xf32, #tpu.memory_space<vmem>>, vector<16xf32>,
      %get3A_77 = vector.shape_cast %get3A_76 : vector<16xf32> to vector<16xf32>
      %gt3A_78 = arith.constant 5.000000e-01 : f32
      %gt3A_79 = vector.broadcast %gt3A_78 : f32 to vector<16xf32>
      %gt3A_80 = arith.cmpf ogt, %get3A_77, %gt3A_79 : vector<16xf32>
      %neg3A_81 = arith.constant 0.000000e+00 : f32
      %neg3A_82 = vector.broadcast %neg3A_81 : f32 to vector<16xf32>
      %neg3A_83 = arith.subf %neg3A_82, %get3A_77 : vector<16xf32>
      %jit3A_84 = arith.constant 0x7F800000 : f32
      %broadcast_in_dim3A_85 = vector.broadcast %jit3A_84 : f32 to vector<16xf32>
      %select_n3A_86 = arith.select %gt3A_80, %neg3A_83, %broadcast_in_dim3A_85 : vector<16xi1>, vector<16xf32>
      %mul3A_87 = arith.constant 16 : i32
      %mul3A_88 = arith.muli %scan3A_72, %mul3A_87 : i32
      %swap3A_89 = arith.index_cast %mul3A_88 : i32 to index
      %swap3A_90 = tpu.vector_load %arg5[%swap3A_89] {strides = array<i32>} : memref<640xf32, #tpu.memory_space<vmem>>, vector<16xf32>,
      %swap3A_91 = vector.shape_cast %swap3A_90 : vector<16xf32> to vector<16xf32>
      %swap3A_92 = vector.shape_cast %select_n3A_86 : vector<16xf32> to vector<16xf32>
      tpu.vector_store %arg5[%swap3A_89], %swap3A_92 {strides = array<i32>} : memref<640xf32, #tpu.memory_space<vmem>>, vector<16xf32>,
      %scan3A_93 = arith.constant 0 : i32
      %scan3A_94 = arith.constant 4 : i32
      %scan3A_95 = arith.addi %scan3A_9, %scan3A_94 : i32
      %mul3A_96 = arith.constant 16 : i32
      %mul3A_97 = arith.muli %scan3A_95, %mul3A_96 : i32
      %get3A_98 = arith.index_cast %mul3A_97 : i32 to index
      %get3A_99 = tpu.vector_load %arg4[%get3A_98] {strides = array<i32>} : memref<640xf32, #tpu.memory_space<vmem>>, vector<16xf32>,
      %get3A_100 = vector.shape_cast %get3A_99 : vector<16xf32> to vector<16xf32>
      %gt3A_101 = arith.constant 5.000000e-01 : f32
      %gt3A_102 = vector.broadcast %gt3A_101 : f32 to vector<16xf32>
      %gt3A_103 = arith.cmpf ogt, %get3A_100, %gt3A_102 : vector<16xf32>
      %neg3A_104 = arith.constant 0.000000e+00 : f32
      %neg3A_105 = vector.broadcast %neg3A_104 : f32 to vector<16xf32>
      %neg3A_106 = arith.subf %neg3A_105, %get3A_100 : vector<16xf32>
      %jit3A_107 = arith.constant 0x7F800000 : f32
      %broadcast_in_dim3A_108 = vector.broadcast %jit3A_107 : f32 to vector<16xf32>
      %select_n3A_109 = arith.select %gt3A_103, %neg3A_106, %broadcast_in_dim3A_108 : vector<16xi1>, vector<16xf32>
      %mul3A_110 = arith.constant 16 : i32
      %mul3A_111 = arith.muli %scan3A_95, %mul3A_110 : i32
      %swap3A_112 = arith.index_cast %mul3A_111 : i32 to index
      %swap3A_113 = tpu.vector_load %arg5[%swap3A_112] {strides = array<i32>} : memref<640xf32, #tpu.memory_space<vmem>>, vector<16xf32>,
      %swap3A_114 = vector.shape_cast %swap3A_113 : vector<16xf32> to vector<16xf32>
      %swap3A_115 = vector.shape_cast %select_n3A_109 : vector<16xf32> to vector<16xf32>
      tpu.vector_store %arg5[%swap3A_112], %swap3A_115 {strides = array<i32>} : memref<640xf32, #tpu.memory_space<vmem>>, vector<16xf32>,
      %scan3A_116 = arith.constant 0 : i32
      %scan3A_117 = arith.constant 5 : i32
      %scan3A_118 = arith.addi %scan3A_9, %scan3A_117 : i32
      %mul3A_119 = arith.constant 16 : i32
      %mul3A_120 = arith.muli %scan3A_118, %mul3A_119 : i32
      %get3A_121 = arith.index_cast %mul3A_120 : i32 to index
      %get3A_122 = tpu.vector_load %arg4[%get3A_121] {strides = array<i32>} : memref<640xf32, #tpu.memory_space<vmem>>, vector<16xf32>,
      %get3A_123 = vector.shape_cast %get3A_122 : vector<16xf32> to vector<16xf32>
      %gt3A_124 = arith.constant 5.000000e-01 : f32
      %gt3A_125 = vector.broadcast %gt3A_124 : f32 to vector<16xf32>
      %gt3A_126 = arith.cmpf ogt, %get3A_123, %gt3A_125 : vector<16xf32>
      %neg3A_127 = arith.constant 0.000000e+00 : f32
      %neg3A_128 = vector.broadcast %neg3A_127 : f32 to vector<16xf32>
      %neg3A_129 = arith.subf %neg3A_128, %get3A_123 : vector<16xf32>
      %jit3A_130 = arith.constant 0x7F800000 : f32
      %broadcast_in_dim3A_131 = vector.broadcast %jit3A_130 : f32 to vector<16xf32>
      %select_n3A_132 = arith.select %gt3A_126, %neg3A_129, %broadcast_in_dim3A_131 : vector<16xi1>, vector<16xf32>
      %mul3A_133 = arith.constant 16 : i32
      %mul3A_134 = arith.muli %scan3A_118, %mul3A_133 : i32
      %swap3A_135 = arith.index_cast %mul3A_134 : i32 to index
      %swap3A_136 = tpu.vector_load %arg5[%swap3A_135] {strides = array<i32>} : memref<640xf32, #tpu.memory_space<vmem>>, vector<16xf32>,
      %swap3A_137 = vector.shape_cast %swap3A_136 : vector<16xf32> to vector<16xf32>
      %swap3A_138 = vector.shape_cast %select_n3A_132 : vector<16xf32> to vector<16xf32>
      tpu.vector_store %arg5[%swap3A_135], %swap3A_138 {strides = array<i32>} : memref<640xf32, #tpu.memory_space<vmem>>, vector<16xf32>,
      %scan3A_139 = arith.constant 0 : i32
      %scan3A_140 = arith.constant 6 : i32
      %scan3A_141 = arith.addi %scan3A_9, %scan3A_140 : i32
      %mul3A_142 = arith.constant 16 : i32
      %mul3A_143 = arith.muli %scan3A_141, %mul3A_142 : i32
      %get3A_144 = arith.index_cast %mul3A_143 : i32 to index
      %get3A_145 = tpu.vector_load %arg4[%get3A_144] {strides = array<i32>} : memref<640xf32, #tpu.memory_space<vmem>>, vector<16xf32>,
      %get3A_146 = vector.shape_cast %get3A_145 : vector<16xf32> to vector<16xf32>
      %gt3A_147 = arith.constant 5.000000e-01 : f32
      %gt3A_148 = vector.broadcast %gt3A_147 : f32 to vector<16xf32>
      %gt3A_149 = arith.cmpf ogt, %get3A_146, %gt3A_148 : vector<16xf32>
      %neg3A_150 = arith.constant 0.000000e+00 : f32
      %neg3A_151 = vector.broadcast %neg3A_150 : f32 to vector<16xf32>
      %neg3A_152 = arith.subf %neg3A_151, %get3A_146 : vector<16xf32>
      %jit3A_153 = arith.constant 0x7F800000 : f32
      %broadcast_in_dim3A_154 = vector.broadcast %jit3A_153 : f32 to vector<16xf32>
      %select_n3A_155 = arith.select %gt3A_149, %neg3A_152, %broadcast_in_dim3A_154 : vector<16xi1>, vector<16xf32>
      %mul3A_156 = arith.constant 16 : i32
      %mul3A_157 = arith.muli %scan3A_141, %mul3A_156 : i32
      %swap3A_158 = arith.index_cast %mul3A_157 : i32 to index
      %swap3A_159 = tpu.vector_load %arg5[%swap3A_158] {strides = array<i32>} : memref<640xf32, #tpu.memory_space<vmem>>, vector<16xf32>,
      %swap3A_160 = vector.shape_cast %swap3A_159 : vector<16xf32> to vector<16xf32>
      %swap3A_161 = vector.shape_cast %select_n3A_155 : vector<16xf32> to vector<16xf32>
      tpu.vector_store %arg5[%swap3A_158], %swap3A_161 {strides = array<i32>} : memref<640xf32, #tpu.memory_space<vmem>>, vector<16xf32>,
      %scan3A_162 = arith.constant 0 : i32
      %scan3A_163 = arith.constant 7 : i32
      %scan3A_164 = arith.addi %scan3A_9, %scan3A_163 : i32
      %mul3A_165 = arith.constant 16 : i32
      %mul3A_166 = arith.muli %scan3A_164, %mul3A_165 : i32
      %get3A_167 = arith.index_cast %mul3A_166 : i32 to index
      %get3A_168 = tpu.vector_load %arg4[%get3A_167] {strides = array<i32>} : memref<640xf32, #tpu.memory_space<vmem>>, vector<16xf32>,
      %get3A_169 = vector.shape_cast %get3A_168 : vector<16xf32> to vector<16xf32>
      %gt3A_170 = arith.constant 5.000000e-01 : f32
      %gt3A_171 = vector.broadcast %gt3A_170 : f32 to vector<16xf32>
      %gt3A_172 = arith.cmpf ogt, %get3A_169, %gt3A_171 : vector<16xf32>
      %neg3A_173 = arith.constant 0.000000e+00 : f32
      %neg3A_174 = vector.broadcast %neg3A_173 : f32 to vector<16xf32>
      %neg3A_175 = arith.subf %neg3A_174, %get3A_169 : vector<16xf32>
      %jit3A_176 = arith.constant 0x7F800000 : f32
      %broadcast_in_dim3A_177 = vector.broadcast %jit3A_176 : f32 to vector<16xf32>
      %select_n3A_178 = arith.select %gt3A_172, %neg3A_175, %broadcast_in_dim3A_177 : vector<16xi1>, vector<16xf32>
      %mul3A_179 = arith.constant 16 : i32
      %mul3A_180 = arith.muli %scan3A_164, %mul3A_179 : i32
      %swap3A_181 = arith.index_cast %mul3A_180 : i32 to index
      %swap3A_182 = tpu.vector_load %arg5[%swap3A_181] {strides = array<i32>} : memref<640xf32, #tpu.memory_space<vmem>>, vector<16xf32>,
      %swap3A_183 = vector.shape_cast %swap3A_182 : vector<16xf32> to vector<16xf32>
      %swap3A_184 = vector.shape_cast %select_n3A_178 : vector<16xf32> to vector<16xf32>
      tpu.vector_store %arg5[%swap3A_181], %swap3A_184 {strides = array<i32>} : memref<640xf32, #tpu.memory_space<vmem>>, vector<16xf32>,
      %scan3A_185 = arith.constant 0 : i32
      scf.yield %scan3A_185 : i32
    }
    %scan3A_8 = arith.constant 40 : i32
    "tpu.region"() ({
      %run_scoped3A = tpu.sem_alloc : memref<!tpu.dma_semaphore, #tpu.memory_space<semaphore_mem>>
      %dma_start3A = tpu.memref_slice %arg3[%mul3A_2] : memref<20480xf32, #tpu.memory_space<hbm>> -> memref<640xf32, #tpu.memory_space<hbm>>
      %dma_start3A_9 = tpu.memref_slice %arg3[%mul3A_2] : memref<20480xf32, #tpu.memory_space<hbm>> -> memref<640xf32, #tpu.memory_space<hbm>>
      tpu.enqueue_dma source(%arg5 : memref<640xf32, #tpu.memory_space<vmem>>) target(%dma_start3A_9 : memref<640xf32, #tpu.memory_space<hbm>>) target_semaphore(%run_scoped3A : memref<!tpu.dma_semaphore, #tpu.memory_space<semaphore_mem>>)
      %dma_wait3A = tpu.memref_slice %arg3[%mul3A_2] : memref<20480xf32, #tpu.memory_space<hbm>> -> memref<640xf32, #tpu.memory_space<hbm>>
      %dma_wait3A_10 = tpu.memref_slice %arg3[%mul3A_2] : memref<20480xf32, #tpu.memory_space<hbm>> -> memref<640xf32, #tpu.memory_space<hbm>>
      tpu.wait_dma2 semaphore(%run_scoped3A : memref<!tpu.dma_semaphore, #tpu.memory_space<semaphore_mem>>) src(%arg5 : memref<640xf32, #tpu.memory_space<vmem>>) dst(%dma_wait3A_10 : memref<640xf32, #tpu.memory_space<hbm>>)
      tpu.yield
    }) : () -> ()
    return
  }
}

module attributes {stable_mosaic.version = 14 : i64} {
  func.func @_nms_body(%arg0: memref<2xi32, #tpu.memory_space<smem>>, %arg1: memref<4x20480xf32, #tpu.memory_space<vmem>>, %arg2: memref<20480x4xf32, #tpu.memory_space<vmem>>, %arg3: memref<1x20480xf32, #tpu.memory_space<vmem>>) attributes {dimension_semantics = [], scalar_prefetch = 0 : i64, scratch_operands = 0 : i64, tpu.core_type = #tpu.core_type<tc>} {
    %get3A = arith.constant 0 : index
    %get3A_0 = memref.load %arg0[%get3A] : memref<2xi32, #tpu.memory_space<smem>>
    %get3A_1 = arith.constant 1 : index
    %get3A_2 = memref.load %arg0[%get3A_1] : memref<2xi32, #tpu.memory_space<smem>>
    %iota3A = tpu.iota {dimensions = array<i32: 1>} : vector<1x20480xi32>
    %lt3A = vector.broadcast %get3A_2 : i32 to vector<1x20480xi32>
    %lt3A_3 = arith.cmpi slt, %iota3A, %lt3A : vector<1x20480xi32>
    %jit3A = arith.constant 1.000000e+00 : f32
    %jit3A_4 = arith.constant 0.000000e+00 : f32
    %broadcast_in_dim3A = vector.broadcast %jit3A : f32 to vector<1x20480xf32>
    %broadcast_in_dim3A_5 = vector.broadcast %jit3A_4 : f32 to vector<1x20480xf32>
    %select_n3A = arith.select %lt3A_3, %broadcast_in_dim3A, %broadcast_in_dim3A_5 : vector<1x20480xi1>, vector<1x20480xf32>
    %swap3A = arith.constant 0 : index
    %swap3A_6 = arith.constant 0 : index
    %swap3A_7 = vector.load %arg3[%swap3A, %swap3A_6] : memref<1x20480xf32, #tpu.memory_space<vmem>>, vector<1x20480xf32>
    tpu.vector_store %arg3[%swap3A, %swap3A_6], %select_n3A {strides = array<i32>} : memref<1x20480xf32, #tpu.memory_space<vmem>>, vector<1x20480xf32>,
    %iota3A_8 = tpu.iota {dimensions = array<i32: 0>} : vector<1024x1024xi32>
    %iota3A_9 = tpu.iota {dimensions = array<i32: 1>} : vector<1024x1024xi32>
    %lt3A_10 = arith.cmpi slt, %iota3A_8, %iota3A_9 : vector<1024x1024xi32>
    %while3A = arith.constant 0 : i32
    %while3A_11 = arith.constant 0 : i32
    %while3A_12 = arith.subi %get3A_0, %while3A : i32
    %while3A_13 = arith.addi %while3A, %while3A_12 : i32
    %while3A_14 = arith.constant 1 : i32
    %while3A_15 = arith.divsi %while3A_12, %while3A_14 : i32
    %while3A_16 = arith.muli %while3A_15, %while3A_14 : i32
    %while3A_17 = arith.addi %while3A, %while3A_16 : i32
    %while3A_18 = arith.constant 1 : i32
    %while3A_19 = scf.for %while3A_22 = %while3A to %while3A_17 step %while3A_18 iter_args(%while3A_23 = %while3A_11) -> (i32)  : i32 {
      %mul3A = arith.constant 1024 : i32
      %mul3A_24 = arith.muli %while3A_22, %mul3A : i32
      %get3A_25 = arith.index_cast %mul3A_24 : i32 to index
      %get3A_26 = arith.constant 0 : index
      %get3A_27 = vector.load %arg2[%get3A_25, %get3A_26] : memref<20480x4xf32, #tpu.memory_space<vmem>>, vector<1024x1xf32>
      %get3A_28 = arith.index_cast %mul3A_24 : i32 to index
      %get3A_29 = arith.constant 1 : index
      %get3A_30 = vector.load %arg2[%get3A_28, %get3A_29] : memref<20480x4xf32, #tpu.memory_space<vmem>>, vector<1024x1xf32>
      %get3A_31 = arith.index_cast %mul3A_24 : i32 to index
      %get3A_32 = arith.constant 2 : index
      %get3A_33 = vector.load %arg2[%get3A_31, %get3A_32] : memref<20480x4xf32, #tpu.memory_space<vmem>>, vector<1024x1xf32>
      %get3A_34 = arith.index_cast %mul3A_24 : i32 to index
      %get3A_35 = arith.constant 3 : index
      %get3A_36 = vector.load %arg2[%get3A_34, %get3A_35] : memref<20480x4xf32, #tpu.memory_space<vmem>>, vector<1024x1xf32>
      %sub3A = arith.subf %get3A_33, %get3A_27 : vector<1024x1xf32>
      %sub3A_37 = arith.subf %get3A_36, %get3A_30 : vector<1024x1xf32>
      %mul3A_38 = arith.mulf %sub3A, %sub3A_37 : vector<1024x1xf32>
      %get3A_39 = arith.constant 0 : index
      %get3A_40 = arith.index_cast %mul3A_24 : i32 to index
      %get3A_41 = vector.load %arg1[%get3A_39, %get3A_40] : memref<4x20480xf32, #tpu.memory_space<vmem>>, vector<1x1024xf32>
      %get3A_42 = arith.constant 1 : index
      %get3A_43 = arith.index_cast %mul3A_24 : i32 to index
      %get3A_44 = vector.load %arg1[%get3A_42, %get3A_43] : memref<4x20480xf32, #tpu.memory_space<vmem>>, vector<1x1024xf32>
      %get3A_45 = arith.constant 2 : index
      %get3A_46 = arith.index_cast %mul3A_24 : i32 to index
      %get3A_47 = vector.load %arg1[%get3A_45, %get3A_46] : memref<4x20480xf32, #tpu.memory_space<vmem>>, vector<1x1024xf32>
      %get3A_48 = arith.constant 3 : index
      %get3A_49 = arith.index_cast %mul3A_24 : i32 to index
      %get3A_50 = vector.load %arg1[%get3A_48, %get3A_49] : memref<4x20480xf32, #tpu.memory_space<vmem>>, vector<1x1024xf32>
      %sub3A_51 = arith.subf %get3A_47, %get3A_41 : vector<1x1024xf32>
      %sub3A_52 = arith.subf %get3A_50, %get3A_44 : vector<1x1024xf32>
      %mul3A_53 = arith.mulf %sub3A_51, %sub3A_52 : vector<1x1024xf32>
      %max3A = vector.broadcast %get3A_27 : vector<1024x1xf32> to vector<1024x1024xf32>
      %max3A_54 = vector.broadcast %get3A_41 : vector<1x1024xf32> to vector<1024x1024xf32>
      %max3A_55 = arith.maximumf %max3A, %max3A_54 : vector<1024x1024xf32>
      %max3A_56 = vector.broadcast %get3A_30 : vector<1024x1xf32> to vector<1024x1024xf32>
      %max3A_57 = vector.broadcast %get3A_44 : vector<1x1024xf32> to vector<1024x1024xf32>
      %max3A_58 = arith.maximumf %max3A_56, %max3A_57 : vector<1024x1024xf32>
      %min3A = vector.broadcast %get3A_33 : vector<1024x1xf32> to vector<1024x1024xf32>
      %min3A_59 = vector.broadcast %get3A_47 : vector<1x1024xf32> to vector<1024x1024xf32>
      %min3A_60 = arith.minimumf %min3A, %min3A_59 : vector<1024x1024xf32>
      %min3A_61 = vector.broadcast %get3A_36 : vector<1024x1xf32> to vector<1024x1024xf32>
      %min3A_62 = vector.broadcast %get3A_50 : vector<1x1024xf32> to vector<1024x1024xf32>
      %min3A_63 = arith.minimumf %min3A_61, %min3A_62 : vector<1024x1024xf32>
      %sub3A_64 = arith.subf %min3A_60, %max3A_55 : vector<1024x1024xf32>
      %max3A_65 = arith.constant 0.000000e+00 : f32
      %max3A_66 = vector.broadcast %max3A_65 : f32 to vector<1024x1024xf32>
      %max3A_67 = arith.maximumf %sub3A_64, %max3A_66 : vector<1024x1024xf32>
      %sub3A_68 = arith.subf %min3A_63, %max3A_58 : vector<1024x1024xf32>
      %max3A_69 = arith.constant 0.000000e+00 : f32
      %max3A_70 = vector.broadcast %max3A_69 : f32 to vector<1024x1024xf32>
      %max3A_71 = arith.maximumf %sub3A_68, %max3A_70 : vector<1024x1024xf32>
      %mul3A_72 = arith.mulf %max3A_67, %max3A_71 : vector<1024x1024xf32>
      %add3A = vector.broadcast %mul3A_38 : vector<1024x1xf32> to vector<1024x1024xf32>
      %add3A_73 = vector.broadcast %mul3A_53 : vector<1x1024xf32> to vector<1024x1024xf32>
      %add3A_74 = arith.addf %add3A, %add3A_73 : vector<1024x1024xf32>
      %sub3A_75 = arith.subf %add3A_74, %mul3A_72 : vector<1024x1024xf32>
      %add3A_76 = arith.constant 9.99999971E-10 : f32
      %add3A_77 = vector.broadcast %add3A_76 : f32 to vector<1024x1024xf32>
      %add3A_78 = arith.addf %sub3A_75, %add3A_77 : vector<1024x1024xf32>
      %div3A = arith.divf %mul3A_72, %add3A_78 : vector<1024x1024xf32>
      %gt3A = arith.constant 0.699999988 : f32
      %gt3A_79 = vector.broadcast %gt3A : f32 to vector<1024x1024xf32>
      %gt3A_80 = arith.cmpf ogt, %div3A, %gt3A_79 : vector<1024x1024xf32>
      %and3A = arith.andi %gt3A_80, %lt3A_10 : vector<1024x1024xi1>
      %jit3A_81 = arith.constant 1.000000e+00 : f32
      %jit3A_82 = arith.constant 0.000000e+00 : f32
      %broadcast_in_dim3A_83 = vector.broadcast %jit3A_81 : f32 to vector<1024x1024xf32>
      %broadcast_in_dim3A_84 = vector.broadcast %jit3A_82 : f32 to vector<1024x1024xf32>
      %select_n3A_85 = arith.select %and3A, %broadcast_in_dim3A_83, %broadcast_in_dim3A_84 : vector<1024x1024xi1>, vector<1024x1024xf32>
      %get3A_86 = arith.constant 0 : index
      %get3A_87 = arith.index_cast %mul3A_24 : i32 to index
      %get3A_88 = vector.load %arg3[%get3A_86, %get3A_87] : memref<1x20480xf32, #tpu.memory_space<vmem>>, vector<1x1024xf32>
      %while3A_89 = arith.constant true
      %while3A_90:2 = scf.while (%while3A_108 = %get3A_88, %while3A_109 = %while3A_89) : (vector<1x1024xf32>, i1) -> (vector<1x1024xf32>, i1) {
        scf.condition(%while3A_109) %while3A_108, %while3A_109 : vector<1x1024xf32>, i1
      } do {
      ^bb0(%while3A_108: vector<1x1024xf32>, %while3A_109: i1):
        %dot_general3A = arith.constant dense<0.000000e+00> : vector<1x1024xf32>
        %dot_general3A_110 = tpu.matmul %while3A_108, %select_n3A_85, %dot_general3A {dimension_numbers = #tpu.dot_dimension_numbers<[1], [0], [0], [1], [0, 0, 1, 1], [], []>, transpose_lhs_hint = false} : vector<1x1024xf32>, vector<1024x1024xf32>, vector<1x1024xf32> -> vector<1x1024xf32>
        %gt3A_111 = arith.constant 5.000000e-01 : f32
        %gt3A_112 = vector.broadcast %gt3A_111 : f32 to vector<1x1024xf32>
        %gt3A_113 = arith.cmpf ogt, %dot_general3A_110, %gt3A_112 : vector<1x1024xf32>
        %jit3A_114 = arith.constant 0.000000e+00 : f32
        %broadcast_in_dim3A_115 = vector.broadcast %jit3A_114 : f32 to vector<1x1024xf32>
        %select_n3A_116 = arith.select %gt3A_113, %broadcast_in_dim3A_115, %get3A_88 : vector<1x1024xi1>, vector<1x1024xf32>
        %sub3A_117 = arith.subf %select_n3A_116, %while3A_108 : vector<1x1024xf32>
        %abs3A = math.absf %sub3A_117 : vector<1x1024xf32>
        %reduce_sum3A = vector.shape_cast %abs3A : vector<1x1024xf32> to vector<1x1x1024xf32>
        %reduce_sum3A_118 = arith.constant dense<0.000000e+00> : vector<1xf32>
        %reduce_sum3A_119 = vector.multi_reduction <add>, %reduce_sum3A, %reduce_sum3A_118 [1, 2] : vector<1x1x1024xf32> to vector<1xf32>
        %reduce_sum3A_120 = vector.shape_cast %reduce_sum3A_119 : vector<1xf32> to vector<1x1x1xf32>
        %reduce_sum3A_121 = vector.extract %reduce_sum3A_120[0, 0, 0] : f32 from vector<1x1x1xf32>
        %gt3A_122 = arith.constant 0.000000e+00 : f32
        %gt3A_123 = arith.cmpf ogt, %reduce_sum3A_121, %gt3A_122 : f32
        scf.yield %select_n3A_116, %gt3A_123 : vector<1x1024xf32>, i1
      }
      %swap3A_91 = arith.constant 0 : index
      %swap3A_92 = arith.index_cast %mul3A_24 : i32 to index
      %swap3A_93 = vector.load %arg3[%swap3A_91, %swap3A_92] : memref<1x20480xf32, #tpu.memory_space<vmem>>, vector<1x1024xf32>
      tpu.vector_store %arg3[%swap3A_91, %swap3A_92], %while3A_90#0 {strides = array<i32>} : memref<1x20480xf32, #tpu.memory_space<vmem>>, vector<1x1024xf32>,
      %add3A_94 = arith.constant 1 : i32
      %add3A_95 = arith.addi %while3A_22, %add3A_94 : i32
      %while3A_96 = arith.constant 0 : i32
      %while3A_97 = arith.subi %get3A_0, %add3A_95 : i32
      %while3A_98 = arith.addi %add3A_95, %while3A_97 : i32
      %while3A_99 = arith.constant 1 : i32
      %while3A_100 = arith.divsi %while3A_97, %while3A_99 : i32
      %while3A_101 = arith.muli %while3A_100, %while3A_99 : i32
      %while3A_102 = arith.addi %add3A_95, %while3A_101 : i32
      %while3A_103 = arith.constant 1 : i32
      %while3A_104 = scf.for %while3A_108 = %add3A_95 to %while3A_102 step %while3A_103 iter_args(%while3A_109 = %while3A_96) -> (i32)  : i32 {
        %mul3A_110 = arith.constant 1024 : i32
        %mul3A_111 = arith.muli %while3A_108, %mul3A_110 : i32
        %get3A_112 = arith.constant 0 : index
        %get3A_113 = arith.index_cast %mul3A_111 : i32 to index
        %get3A_114 = vector.load %arg1[%get3A_112, %get3A_113] : memref<4x20480xf32, #tpu.memory_space<vmem>>, vector<1x1024xf32>
        %get3A_115 = arith.constant 1 : index
        %get3A_116 = arith.index_cast %mul3A_111 : i32 to index
        %get3A_117 = vector.load %arg1[%get3A_115, %get3A_116] : memref<4x20480xf32, #tpu.memory_space<vmem>>, vector<1x1024xf32>
        %get3A_118 = arith.constant 2 : index
        %get3A_119 = arith.index_cast %mul3A_111 : i32 to index
        %get3A_120 = vector.load %arg1[%get3A_118, %get3A_119] : memref<4x20480xf32, #tpu.memory_space<vmem>>, vector<1x1024xf32>
        %get3A_121 = arith.constant 3 : index
        %get3A_122 = arith.index_cast %mul3A_111 : i32 to index
        %get3A_123 = vector.load %arg1[%get3A_121, %get3A_122] : memref<4x20480xf32, #tpu.memory_space<vmem>>, vector<1x1024xf32>
        %sub3A_124 = arith.subf %get3A_120, %get3A_114 : vector<1x1024xf32>
        %sub3A_125 = arith.subf %get3A_123, %get3A_117 : vector<1x1024xf32>
        %mul3A_126 = arith.mulf %sub3A_124, %sub3A_125 : vector<1x1024xf32>
        %max3A_127 = vector.broadcast %get3A_27 : vector<1024x1xf32> to vector<1024x1024xf32>
        %max3A_128 = vector.broadcast %get3A_114 : vector<1x1024xf32> to vector<1024x1024xf32>
        %max3A_129 = arith.maximumf %max3A_127, %max3A_128 : vector<1024x1024xf32>
        %max3A_130 = vector.broadcast %get3A_30 : vector<1024x1xf32> to vector<1024x1024xf32>
        %max3A_131 = vector.broadcast %get3A_117 : vector<1x1024xf32> to vector<1024x1024xf32>
        %max3A_132 = arith.maximumf %max3A_130, %max3A_131 : vector<1024x1024xf32>
        %min3A_133 = vector.broadcast %get3A_33 : vector<1024x1xf32> to vector<1024x1024xf32>
        %min3A_134 = vector.broadcast %get3A_120 : vector<1x1024xf32> to vector<1024x1024xf32>
        %min3A_135 = arith.minimumf %min3A_133, %min3A_134 : vector<1024x1024xf32>
        %min3A_136 = vector.broadcast %get3A_36 : vector<1024x1xf32> to vector<1024x1024xf32>
        %min3A_137 = vector.broadcast %get3A_123 : vector<1x1024xf32> to vector<1024x1024xf32>
        %min3A_138 = arith.minimumf %min3A_136, %min3A_137 : vector<1024x1024xf32>
        %sub3A_139 = arith.subf %min3A_135, %max3A_129 : vector<1024x1024xf32>
        %max3A_140 = arith.constant 0.000000e+00 : f32
        %max3A_141 = vector.broadcast %max3A_140 : f32 to vector<1024x1024xf32>
        %max3A_142 = arith.maximumf %sub3A_139, %max3A_141 : vector<1024x1024xf32>
        %sub3A_143 = arith.subf %min3A_138, %max3A_132 : vector<1024x1024xf32>
        %max3A_144 = arith.constant 0.000000e+00 : f32
        %max3A_145 = vector.broadcast %max3A_144 : f32 to vector<1024x1024xf32>
        %max3A_146 = arith.maximumf %sub3A_143, %max3A_145 : vector<1024x1024xf32>
        %mul3A_147 = arith.mulf %max3A_142, %max3A_146 : vector<1024x1024xf32>
        %add3A_148 = vector.broadcast %mul3A_38 : vector<1024x1xf32> to vector<1024x1024xf32>
        %add3A_149 = vector.broadcast %mul3A_126 : vector<1x1024xf32> to vector<1024x1024xf32>
        %add3A_150 = arith.addf %add3A_148, %add3A_149 : vector<1024x1024xf32>
        %sub3A_151 = arith.subf %add3A_150, %mul3A_147 : vector<1024x1024xf32>
        %add3A_152 = arith.constant 9.99999971E-10 : f32
        %add3A_153 = vector.broadcast %add3A_152 : f32 to vector<1024x1024xf32>
        %add3A_154 = arith.addf %sub3A_151, %add3A_153 : vector<1024x1024xf32>
        %div3A_155 = arith.divf %mul3A_147, %add3A_154 : vector<1024x1024xf32>
        %gt3A_156 = arith.constant 0.699999988 : f32
        %gt3A_157 = vector.broadcast %gt3A_156 : f32 to vector<1024x1024xf32>
        %gt3A_158 = arith.cmpf ogt, %div3A_155, %gt3A_157 : vector<1024x1024xf32>
        %jit3A_159 = arith.constant 1.000000e+00 : f32
        %jit3A_160 = arith.constant 0.000000e+00 : f32
        %broadcast_in_dim3A_161 = vector.broadcast %jit3A_159 : f32 to vector<1024x1024xf32>
        %broadcast_in_dim3A_162 = vector.broadcast %jit3A_160 : f32 to vector<1024x1024xf32>
        %select_n3A_163 = arith.select %gt3A_158, %broadcast_in_dim3A_161, %broadcast_in_dim3A_162 : vector<1024x1024xi1>, vector<1024x1024xf32>
        %dot_general3A = arith.constant dense<0.000000e+00> : vector<1x1024xf32>
        %dot_general3A_164 = tpu.matmul %while3A_90#0, %select_n3A_163, %dot_general3A {dimension_numbers = #tpu.dot_dimension_numbers<[1], [0], [0], [1], [0, 0, 1, 1], [], []>, transpose_lhs_hint = false} : vector<1x1024xf32>, vector<1024x1024xf32>, vector<1x1024xf32> -> vector<1x1024xf32>
        %get3A_165 = arith.constant 0 : index
        %get3A_166 = arith.index_cast %mul3A_111 : i32 to index
        %get3A_167 = vector.load %arg3[%get3A_165, %get3A_166] : memref<1x20480xf32, #tpu.memory_space<vmem>>, vector<1x1024xf32>
        %gt3A_168 = arith.constant 5.000000e-01 : f32
        %gt3A_169 = vector.broadcast %gt3A_168 : f32 to vector<1x1024xf32>
        %gt3A_170 = arith.cmpf ogt, %dot_general3A_164, %gt3A_169 : vector<1x1024xf32>
        %jit3A_171 = arith.constant 0.000000e+00 : f32
        %broadcast_in_dim3A_172 = vector.broadcast %jit3A_171 : f32 to vector<1x1024xf32>
        %select_n3A_173 = arith.select %gt3A_170, %broadcast_in_dim3A_172, %get3A_167 : vector<1x1024xi1>, vector<1x1024xf32>
        %swap3A_174 = arith.constant 0 : index
        %swap3A_175 = arith.index_cast %mul3A_111 : i32 to index
        %swap3A_176 = vector.load %arg3[%swap3A_174, %swap3A_175] : memref<1x20480xf32, #tpu.memory_space<vmem>>, vector<1x1024xf32>
        tpu.vector_store %arg3[%swap3A_174, %swap3A_175], %select_n3A_173 {strides = array<i32>} : memref<1x20480xf32, #tpu.memory_space<vmem>>, vector<1x1024xf32>,
        %while3A_177 = arith.constant 0 : i32
        scf.yield %while3A_177 : i32
      }
      %while3A_105 = arith.constant 1 : i32
      %while3A_106 = scf.for %while3A_108 = %while3A_102 to %while3A_98 step %while3A_105 iter_args(%while3A_109 = %while3A_104) -> (i32)  : i32 {
        %mul3A_110 = arith.constant 1024 : i32
        %mul3A_111 = arith.muli %while3A_108, %mul3A_110 : i32
        %get3A_112 = arith.constant 0 : index
        %get3A_113 = arith.index_cast %mul3A_111 : i32 to index
        %get3A_114 = vector.load %arg1[%get3A_112, %get3A_113] : memref<4x20480xf32, #tpu.memory_space<vmem>>, vector<1x1024xf32>
        %get3A_115 = arith.constant 1 : index
        %get3A_116 = arith.index_cast %mul3A_111 : i32 to index
        %get3A_117 = vector.load %arg1[%get3A_115, %get3A_116] : memref<4x20480xf32, #tpu.memory_space<vmem>>, vector<1x1024xf32>
        %get3A_118 = arith.constant 2 : index
        %get3A_119 = arith.index_cast %mul3A_111 : i32 to index
        %get3A_120 = vector.load %arg1[%get3A_118, %get3A_119] : memref<4x20480xf32, #tpu.memory_space<vmem>>, vector<1x1024xf32>
        %get3A_121 = arith.constant 3 : index
        %get3A_122 = arith.index_cast %mul3A_111 : i32 to index
        %get3A_123 = vector.load %arg1[%get3A_121, %get3A_122] : memref<4x20480xf32, #tpu.memory_space<vmem>>, vector<1x1024xf32>
        %sub3A_124 = arith.subf %get3A_120, %get3A_114 : vector<1x1024xf32>
        %sub3A_125 = arith.subf %get3A_123, %get3A_117 : vector<1x1024xf32>
        %mul3A_126 = arith.mulf %sub3A_124, %sub3A_125 : vector<1x1024xf32>
        %max3A_127 = vector.broadcast %get3A_27 : vector<1024x1xf32> to vector<1024x1024xf32>
        %max3A_128 = vector.broadcast %get3A_114 : vector<1x1024xf32> to vector<1024x1024xf32>
        %max3A_129 = arith.maximumf %max3A_127, %max3A_128 : vector<1024x1024xf32>
        %max3A_130 = vector.broadcast %get3A_30 : vector<1024x1xf32> to vector<1024x1024xf32>
        %max3A_131 = vector.broadcast %get3A_117 : vector<1x1024xf32> to vector<1024x1024xf32>
        %max3A_132 = arith.maximumf %max3A_130, %max3A_131 : vector<1024x1024xf32>
        %min3A_133 = vector.broadcast %get3A_33 : vector<1024x1xf32> to vector<1024x1024xf32>
        %min3A_134 = vector.broadcast %get3A_120 : vector<1x1024xf32> to vector<1024x1024xf32>
        %min3A_135 = arith.minimumf %min3A_133, %min3A_134 : vector<1024x1024xf32>
        %min3A_136 = vector.broadcast %get3A_36 : vector<1024x1xf32> to vector<1024x1024xf32>
        %min3A_137 = vector.broadcast %get3A_123 : vector<1x1024xf32> to vector<1024x1024xf32>
        %min3A_138 = arith.minimumf %min3A_136, %min3A_137 : vector<1024x1024xf32>
        %sub3A_139 = arith.subf %min3A_135, %max3A_129 : vector<1024x1024xf32>
        %max3A_140 = arith.constant 0.000000e+00 : f32
        %max3A_141 = vector.broadcast %max3A_140 : f32 to vector<1024x1024xf32>
        %max3A_142 = arith.maximumf %sub3A_139, %max3A_141 : vector<1024x1024xf32>
        %sub3A_143 = arith.subf %min3A_138, %max3A_132 : vector<1024x1024xf32>
        %max3A_144 = arith.constant 0.000000e+00 : f32
        %max3A_145 = vector.broadcast %max3A_144 : f32 to vector<1024x1024xf32>
        %max3A_146 = arith.maximumf %sub3A_143, %max3A_145 : vector<1024x1024xf32>
        %mul3A_147 = arith.mulf %max3A_142, %max3A_146 : vector<1024x1024xf32>
        %add3A_148 = vector.broadcast %mul3A_38 : vector<1024x1xf32> to vector<1024x1024xf32>
        %add3A_149 = vector.broadcast %mul3A_126 : vector<1x1024xf32> to vector<1024x1024xf32>
        %add3A_150 = arith.addf %add3A_148, %add3A_149 : vector<1024x1024xf32>
        %sub3A_151 = arith.subf %add3A_150, %mul3A_147 : vector<1024x1024xf32>
        %add3A_152 = arith.constant 9.99999971E-10 : f32
        %add3A_153 = vector.broadcast %add3A_152 : f32 to vector<1024x1024xf32>
        %add3A_154 = arith.addf %sub3A_151, %add3A_153 : vector<1024x1024xf32>
        %div3A_155 = arith.divf %mul3A_147, %add3A_154 : vector<1024x1024xf32>
        %gt3A_156 = arith.constant 0.699999988 : f32
        %gt3A_157 = vector.broadcast %gt3A_156 : f32 to vector<1024x1024xf32>
        %gt3A_158 = arith.cmpf ogt, %div3A_155, %gt3A_157 : vector<1024x1024xf32>
        %jit3A_159 = arith.constant 1.000000e+00 : f32
        %jit3A_160 = arith.constant 0.000000e+00 : f32
        %broadcast_in_dim3A_161 = vector.broadcast %jit3A_159 : f32 to vector<1024x1024xf32>
        %broadcast_in_dim3A_162 = vector.broadcast %jit3A_160 : f32 to vector<1024x1024xf32>
        %select_n3A_163 = arith.select %gt3A_158, %broadcast_in_dim3A_161, %broadcast_in_dim3A_162 : vector<1024x1024xi1>, vector<1024x1024xf32>
        %dot_general3A = arith.constant dense<0.000000e+00> : vector<1x1024xf32>
        %dot_general3A_164 = tpu.matmul %while3A_90#0, %select_n3A_163, %dot_general3A {dimension_numbers = #tpu.dot_dimension_numbers<[1], [0], [0], [1], [0, 0, 1, 1], [], []>, transpose_lhs_hint = false} : vector<1x1024xf32>, vector<1024x1024xf32>, vector<1x1024xf32> -> vector<1x1024xf32>
        %get3A_165 = arith.constant 0 : index
        %get3A_166 = arith.index_cast %mul3A_111 : i32 to index
        %get3A_167 = vector.load %arg3[%get3A_165, %get3A_166] : memref<1x20480xf32, #tpu.memory_space<vmem>>, vector<1x1024xf32>
        %gt3A_168 = arith.constant 5.000000e-01 : f32
        %gt3A_169 = vector.broadcast %gt3A_168 : f32 to vector<1x1024xf32>
        %gt3A_170 = arith.cmpf ogt, %dot_general3A_164, %gt3A_169 : vector<1x1024xf32>
        %jit3A_171 = arith.constant 0.000000e+00 : f32
        %broadcast_in_dim3A_172 = vector.broadcast %jit3A_171 : f32 to vector<1x1024xf32>
        %select_n3A_173 = arith.select %gt3A_170, %broadcast_in_dim3A_172, %get3A_167 : vector<1x1024xi1>, vector<1x1024xf32>
        %swap3A_174 = arith.constant 0 : index
        %swap3A_175 = arith.index_cast %mul3A_111 : i32 to index
        %swap3A_176 = vector.load %arg3[%swap3A_174, %swap3A_175] : memref<1x20480xf32, #tpu.memory_space<vmem>>, vector<1x1024xf32>
        tpu.vector_store %arg3[%swap3A_174, %swap3A_175], %select_n3A_173 {strides = array<i32>} : memref<1x20480xf32, #tpu.memory_space<vmem>>, vector<1x1024xf32>,
        %while3A_177 = arith.constant 0 : i32
        scf.yield %while3A_177 : i32
      }
      %while3A_107 = arith.constant 0 : i32
      scf.yield %while3A_107 : i32
    }
    %while3A_20 = arith.constant 1 : i32
    %while3A_21 = scf.for %while3A_22 = %while3A_17 to %while3A_13 step %while3A_20 iter_args(%while3A_23 = %while3A_19) -> (i32)  : i32 {
      %mul3A = arith.constant 1024 : i32
      %mul3A_24 = arith.muli %while3A_22, %mul3A : i32
      %get3A_25 = arith.index_cast %mul3A_24 : i32 to index
      %get3A_26 = arith.constant 0 : index
      %get3A_27 = vector.load %arg2[%get3A_25, %get3A_26] : memref<20480x4xf32, #tpu.memory_space<vmem>>, vector<1024x1xf32>
      %get3A_28 = arith.index_cast %mul3A_24 : i32 to index
      %get3A_29 = arith.constant 1 : index
      %get3A_30 = vector.load %arg2[%get3A_28, %get3A_29] : memref<20480x4xf32, #tpu.memory_space<vmem>>, vector<1024x1xf32>
      %get3A_31 = arith.index_cast %mul3A_24 : i32 to index
      %get3A_32 = arith.constant 2 : index
      %get3A_33 = vector.load %arg2[%get3A_31, %get3A_32] : memref<20480x4xf32, #tpu.memory_space<vmem>>, vector<1024x1xf32>
      %get3A_34 = arith.index_cast %mul3A_24 : i32 to index
      %get3A_35 = arith.constant 3 : index
      %get3A_36 = vector.load %arg2[%get3A_34, %get3A_35] : memref<20480x4xf32, #tpu.memory_space<vmem>>, vector<1024x1xf32>
      %sub3A = arith.subf %get3A_33, %get3A_27 : vector<1024x1xf32>
      %sub3A_37 = arith.subf %get3A_36, %get3A_30 : vector<1024x1xf32>
      %mul3A_38 = arith.mulf %sub3A, %sub3A_37 : vector<1024x1xf32>
      %get3A_39 = arith.constant 0 : index
      %get3A_40 = arith.index_cast %mul3A_24 : i32 to index
      %get3A_41 = vector.load %arg1[%get3A_39, %get3A_40] : memref<4x20480xf32, #tpu.memory_space<vmem>>, vector<1x1024xf32>
      %get3A_42 = arith.constant 1 : index
      %get3A_43 = arith.index_cast %mul3A_24 : i32 to index
      %get3A_44 = vector.load %arg1[%get3A_42, %get3A_43] : memref<4x20480xf32, #tpu.memory_space<vmem>>, vector<1x1024xf32>
      %get3A_45 = arith.constant 2 : index
      %get3A_46 = arith.index_cast %mul3A_24 : i32 to index
      %get3A_47 = vector.load %arg1[%get3A_45, %get3A_46] : memref<4x20480xf32, #tpu.memory_space<vmem>>, vector<1x1024xf32>
      %get3A_48 = arith.constant 3 : index
      %get3A_49 = arith.index_cast %mul3A_24 : i32 to index
      %get3A_50 = vector.load %arg1[%get3A_48, %get3A_49] : memref<4x20480xf32, #tpu.memory_space<vmem>>, vector<1x1024xf32>
      %sub3A_51 = arith.subf %get3A_47, %get3A_41 : vector<1x1024xf32>
      %sub3A_52 = arith.subf %get3A_50, %get3A_44 : vector<1x1024xf32>
      %mul3A_53 = arith.mulf %sub3A_51, %sub3A_52 : vector<1x1024xf32>
      %max3A = vector.broadcast %get3A_27 : vector<1024x1xf32> to vector<1024x1024xf32>
      %max3A_54 = vector.broadcast %get3A_41 : vector<1x1024xf32> to vector<1024x1024xf32>
      %max3A_55 = arith.maximumf %max3A, %max3A_54 : vector<1024x1024xf32>
      %max3A_56 = vector.broadcast %get3A_30 : vector<1024x1xf32> to vector<1024x1024xf32>
      %max3A_57 = vector.broadcast %get3A_44 : vector<1x1024xf32> to vector<1024x1024xf32>
      %max3A_58 = arith.maximumf %max3A_56, %max3A_57 : vector<1024x1024xf32>
      %min3A = vector.broadcast %get3A_33 : vector<1024x1xf32> to vector<1024x1024xf32>
      %min3A_59 = vector.broadcast %get3A_47 : vector<1x1024xf32> to vector<1024x1024xf32>
      %min3A_60 = arith.minimumf %min3A, %min3A_59 : vector<1024x1024xf32>
      %min3A_61 = vector.broadcast %get3A_36 : vector<1024x1xf32> to vector<1024x1024xf32>
      %min3A_62 = vector.broadcast %get3A_50 : vector<1x1024xf32> to vector<1024x1024xf32>
      %min3A_63 = arith.minimumf %min3A_61, %min3A_62 : vector<1024x1024xf32>
      %sub3A_64 = arith.subf %min3A_60, %max3A_55 : vector<1024x1024xf32>
      %max3A_65 = arith.constant 0.000000e+00 : f32
      %max3A_66 = vector.broadcast %max3A_65 : f32 to vector<1024x1024xf32>
      %max3A_67 = arith.maximumf %sub3A_64, %max3A_66 : vector<1024x1024xf32>
      %sub3A_68 = arith.subf %min3A_63, %max3A_58 : vector<1024x1024xf32>
      %max3A_69 = arith.constant 0.000000e+00 : f32
      %max3A_70 = vector.broadcast %max3A_69 : f32 to vector<1024x1024xf32>
      %max3A_71 = arith.maximumf %sub3A_68, %max3A_70 : vector<1024x1024xf32>
      %mul3A_72 = arith.mulf %max3A_67, %max3A_71 : vector<1024x1024xf32>
      %add3A = vector.broadcast %mul3A_38 : vector<1024x1xf32> to vector<1024x1024xf32>
      %add3A_73 = vector.broadcast %mul3A_53 : vector<1x1024xf32> to vector<1024x1024xf32>
      %add3A_74 = arith.addf %add3A, %add3A_73 : vector<1024x1024xf32>
      %sub3A_75 = arith.subf %add3A_74, %mul3A_72 : vector<1024x1024xf32>
      %add3A_76 = arith.constant 9.99999971E-10 : f32
      %add3A_77 = vector.broadcast %add3A_76 : f32 to vector<1024x1024xf32>
      %add3A_78 = arith.addf %sub3A_75, %add3A_77 : vector<1024x1024xf32>
      %div3A = arith.divf %mul3A_72, %add3A_78 : vector<1024x1024xf32>
      %gt3A = arith.constant 0.699999988 : f32
      %gt3A_79 = vector.broadcast %gt3A : f32 to vector<1024x1024xf32>
      %gt3A_80 = arith.cmpf ogt, %div3A, %gt3A_79 : vector<1024x1024xf32>
      %and3A = arith.andi %gt3A_80, %lt3A_10 : vector<1024x1024xi1>
      %jit3A_81 = arith.constant 1.000000e+00 : f32
      %jit3A_82 = arith.constant 0.000000e+00 : f32
      %broadcast_in_dim3A_83 = vector.broadcast %jit3A_81 : f32 to vector<1024x1024xf32>
      %broadcast_in_dim3A_84 = vector.broadcast %jit3A_82 : f32 to vector<1024x1024xf32>
      %select_n3A_85 = arith.select %and3A, %broadcast_in_dim3A_83, %broadcast_in_dim3A_84 : vector<1024x1024xi1>, vector<1024x1024xf32>
      %get3A_86 = arith.constant 0 : index
      %get3A_87 = arith.index_cast %mul3A_24 : i32 to index
      %get3A_88 = vector.load %arg3[%get3A_86, %get3A_87] : memref<1x20480xf32, #tpu.memory_space<vmem>>, vector<1x1024xf32>
      %while3A_89 = arith.constant true
      %while3A_90:2 = scf.while (%while3A_108 = %get3A_88, %while3A_109 = %while3A_89) : (vector<1x1024xf32>, i1) -> (vector<1x1024xf32>, i1) {
        scf.condition(%while3A_109) %while3A_108, %while3A_109 : vector<1x1024xf32>, i1
      } do {
      ^bb0(%while3A_108: vector<1x1024xf32>, %while3A_109: i1):
        %dot_general3A = arith.constant dense<0.000000e+00> : vector<1x1024xf32>
        %dot_general3A_110 = tpu.matmul %while3A_108, %select_n3A_85, %dot_general3A {dimension_numbers = #tpu.dot_dimension_numbers<[1], [0], [0], [1], [0, 0, 1, 1], [], []>, transpose_lhs_hint = false} : vector<1x1024xf32>, vector<1024x1024xf32>, vector<1x1024xf32> -> vector<1x1024xf32>
        %gt3A_111 = arith.constant 5.000000e-01 : f32
        %gt3A_112 = vector.broadcast %gt3A_111 : f32 to vector<1x1024xf32>
        %gt3A_113 = arith.cmpf ogt, %dot_general3A_110, %gt3A_112 : vector<1x1024xf32>
        %jit3A_114 = arith.constant 0.000000e+00 : f32
        %broadcast_in_dim3A_115 = vector.broadcast %jit3A_114 : f32 to vector<1x1024xf32>
        %select_n3A_116 = arith.select %gt3A_113, %broadcast_in_dim3A_115, %get3A_88 : vector<1x1024xi1>, vector<1x1024xf32>
        %sub3A_117 = arith.subf %select_n3A_116, %while3A_108 : vector<1x1024xf32>
        %abs3A = math.absf %sub3A_117 : vector<1x1024xf32>
        %reduce_sum3A = vector.shape_cast %abs3A : vector<1x1024xf32> to vector<1x1x1024xf32>
        %reduce_sum3A_118 = arith.constant dense<0.000000e+00> : vector<1xf32>
        %reduce_sum3A_119 = vector.multi_reduction <add>, %reduce_sum3A, %reduce_sum3A_118 [1, 2] : vector<1x1x1024xf32> to vector<1xf32>
        %reduce_sum3A_120 = vector.shape_cast %reduce_sum3A_119 : vector<1xf32> to vector<1x1x1xf32>
        %reduce_sum3A_121 = vector.extract %reduce_sum3A_120[0, 0, 0] : f32 from vector<1x1x1xf32>
        %gt3A_122 = arith.constant 0.000000e+00 : f32
        %gt3A_123 = arith.cmpf ogt, %reduce_sum3A_121, %gt3A_122 : f32
        scf.yield %select_n3A_116, %gt3A_123 : vector<1x1024xf32>, i1
      }
      %swap3A_91 = arith.constant 0 : index
      %swap3A_92 = arith.index_cast %mul3A_24 : i32 to index
      %swap3A_93 = vector.load %arg3[%swap3A_91, %swap3A_92] : memref<1x20480xf32, #tpu.memory_space<vmem>>, vector<1x1024xf32>
      tpu.vector_store %arg3[%swap3A_91, %swap3A_92], %while3A_90#0 {strides = array<i32>} : memref<1x20480xf32, #tpu.memory_space<vmem>>, vector<1x1024xf32>,
      %add3A_94 = arith.constant 1 : i32
      %add3A_95 = arith.addi %while3A_22, %add3A_94 : i32
      %while3A_96 = arith.constant 0 : i32
      %while3A_97 = arith.subi %get3A_0, %add3A_95 : i32
      %while3A_98 = arith.addi %add3A_95, %while3A_97 : i32
      %while3A_99 = arith.constant 1 : i32
      %while3A_100 = arith.divsi %while3A_97, %while3A_99 : i32
      %while3A_101 = arith.muli %while3A_100, %while3A_99 : i32
      %while3A_102 = arith.addi %add3A_95, %while3A_101 : i32
      %while3A_103 = arith.constant 1 : i32
      %while3A_104 = scf.for %while3A_108 = %add3A_95 to %while3A_102 step %while3A_103 iter_args(%while3A_109 = %while3A_96) -> (i32)  : i32 {
        %mul3A_110 = arith.constant 1024 : i32
        %mul3A_111 = arith.muli %while3A_108, %mul3A_110 : i32
        %get3A_112 = arith.constant 0 : index
        %get3A_113 = arith.index_cast %mul3A_111 : i32 to index
        %get3A_114 = vector.load %arg1[%get3A_112, %get3A_113] : memref<4x20480xf32, #tpu.memory_space<vmem>>, vector<1x1024xf32>
        %get3A_115 = arith.constant 1 : index
        %get3A_116 = arith.index_cast %mul3A_111 : i32 to index
        %get3A_117 = vector.load %arg1[%get3A_115, %get3A_116] : memref<4x20480xf32, #tpu.memory_space<vmem>>, vector<1x1024xf32>
        %get3A_118 = arith.constant 2 : index
        %get3A_119 = arith.index_cast %mul3A_111 : i32 to index
        %get3A_120 = vector.load %arg1[%get3A_118, %get3A_119] : memref<4x20480xf32, #tpu.memory_space<vmem>>, vector<1x1024xf32>
        %get3A_121 = arith.constant 3 : index
        %get3A_122 = arith.index_cast %mul3A_111 : i32 to index
        %get3A_123 = vector.load %arg1[%get3A_121, %get3A_122] : memref<4x20480xf32, #tpu.memory_space<vmem>>, vector<1x1024xf32>
        %sub3A_124 = arith.subf %get3A_120, %get3A_114 : vector<1x1024xf32>
        %sub3A_125 = arith.subf %get3A_123, %get3A_117 : vector<1x1024xf32>
        %mul3A_126 = arith.mulf %sub3A_124, %sub3A_125 : vector<1x1024xf32>
        %max3A_127 = vector.broadcast %get3A_27 : vector<1024x1xf32> to vector<1024x1024xf32>
        %max3A_128 = vector.broadcast %get3A_114 : vector<1x1024xf32> to vector<1024x1024xf32>
        %max3A_129 = arith.maximumf %max3A_127, %max3A_128 : vector<1024x1024xf32>
        %max3A_130 = vector.broadcast %get3A_30 : vector<1024x1xf32> to vector<1024x1024xf32>
        %max3A_131 = vector.broadcast %get3A_117 : vector<1x1024xf32> to vector<1024x1024xf32>
        %max3A_132 = arith.maximumf %max3A_130, %max3A_131 : vector<1024x1024xf32>
        %min3A_133 = vector.broadcast %get3A_33 : vector<1024x1xf32> to vector<1024x1024xf32>
        %min3A_134 = vector.broadcast %get3A_120 : vector<1x1024xf32> to vector<1024x1024xf32>
        %min3A_135 = arith.minimumf %min3A_133, %min3A_134 : vector<1024x1024xf32>
        %min3A_136 = vector.broadcast %get3A_36 : vector<1024x1xf32> to vector<1024x1024xf32>
        %min3A_137 = vector.broadcast %get3A_123 : vector<1x1024xf32> to vector<1024x1024xf32>
        %min3A_138 = arith.minimumf %min3A_136, %min3A_137 : vector<1024x1024xf32>
        %sub3A_139 = arith.subf %min3A_135, %max3A_129 : vector<1024x1024xf32>
        %max3A_140 = arith.constant 0.000000e+00 : f32
        %max3A_141 = vector.broadcast %max3A_140 : f32 to vector<1024x1024xf32>
        %max3A_142 = arith.maximumf %sub3A_139, %max3A_141 : vector<1024x1024xf32>
        %sub3A_143 = arith.subf %min3A_138, %max3A_132 : vector<1024x1024xf32>
        %max3A_144 = arith.constant 0.000000e+00 : f32
        %max3A_145 = vector.broadcast %max3A_144 : f32 to vector<1024x1024xf32>
        %max3A_146 = arith.maximumf %sub3A_143, %max3A_145 : vector<1024x1024xf32>
        %mul3A_147 = arith.mulf %max3A_142, %max3A_146 : vector<1024x1024xf32>
        %add3A_148 = vector.broadcast %mul3A_38 : vector<1024x1xf32> to vector<1024x1024xf32>
        %add3A_149 = vector.broadcast %mul3A_126 : vector<1x1024xf32> to vector<1024x1024xf32>
        %add3A_150 = arith.addf %add3A_148, %add3A_149 : vector<1024x1024xf32>
        %sub3A_151 = arith.subf %add3A_150, %mul3A_147 : vector<1024x1024xf32>
        %add3A_152 = arith.constant 9.99999971E-10 : f32
        %add3A_153 = vector.broadcast %add3A_152 : f32 to vector<1024x1024xf32>
        %add3A_154 = arith.addf %sub3A_151, %add3A_153 : vector<1024x1024xf32>
        %div3A_155 = arith.divf %mul3A_147, %add3A_154 : vector<1024x1024xf32>
        %gt3A_156 = arith.constant 0.699999988 : f32
        %gt3A_157 = vector.broadcast %gt3A_156 : f32 to vector<1024x1024xf32>
        %gt3A_158 = arith.cmpf ogt, %div3A_155, %gt3A_157 : vector<1024x1024xf32>
        %jit3A_159 = arith.constant 1.000000e+00 : f32
        %jit3A_160 = arith.constant 0.000000e+00 : f32
        %broadcast_in_dim3A_161 = vector.broadcast %jit3A_159 : f32 to vector<1024x1024xf32>
        %broadcast_in_dim3A_162 = vector.broadcast %jit3A_160 : f32 to vector<1024x1024xf32>
        %select_n3A_163 = arith.select %gt3A_158, %broadcast_in_dim3A_161, %broadcast_in_dim3A_162 : vector<1024x1024xi1>, vector<1024x1024xf32>
        %dot_general3A = arith.constant dense<0.000000e+00> : vector<1x1024xf32>
        %dot_general3A_164 = tpu.matmul %while3A_90#0, %select_n3A_163, %dot_general3A {dimension_numbers = #tpu.dot_dimension_numbers<[1], [0], [0], [1], [0, 0, 1, 1], [], []>, transpose_lhs_hint = false} : vector<1x1024xf32>, vector<1024x1024xf32>, vector<1x1024xf32> -> vector<1x1024xf32>
        %get3A_165 = arith.constant 0 : index
        %get3A_166 = arith.index_cast %mul3A_111 : i32 to index
        %get3A_167 = vector.load %arg3[%get3A_165, %get3A_166] : memref<1x20480xf32, #tpu.memory_space<vmem>>, vector<1x1024xf32>
        %gt3A_168 = arith.constant 5.000000e-01 : f32
        %gt3A_169 = vector.broadcast %gt3A_168 : f32 to vector<1x1024xf32>
        %gt3A_170 = arith.cmpf ogt, %dot_general3A_164, %gt3A_169 : vector<1x1024xf32>
        %jit3A_171 = arith.constant 0.000000e+00 : f32
        %broadcast_in_dim3A_172 = vector.broadcast %jit3A_171 : f32 to vector<1x1024xf32>
        %select_n3A_173 = arith.select %gt3A_170, %broadcast_in_dim3A_172, %get3A_167 : vector<1x1024xi1>, vector<1x1024xf32>
        %swap3A_174 = arith.constant 0 : index
        %swap3A_175 = arith.index_cast %mul3A_111 : i32 to index
        %swap3A_176 = vector.load %arg3[%swap3A_174, %swap3A_175] : memref<1x20480xf32, #tpu.memory_space<vmem>>, vector<1x1024xf32>
        tpu.vector_store %arg3[%swap3A_174, %swap3A_175], %select_n3A_173 {strides = array<i32>} : memref<1x20480xf32, #tpu.memory_space<vmem>>, vector<1x1024xf32>,
        %while3A_177 = arith.constant 0 : i32
        scf.yield %while3A_177 : i32
      }
      %while3A_105 = arith.constant 1 : i32
      %while3A_106 = scf.for %while3A_108 = %while3A_102 to %while3A_98 step %while3A_105 iter_args(%while3A_109 = %while3A_104) -> (i32)  : i32 {
        %mul3A_110 = arith.constant 1024 : i32
        %mul3A_111 = arith.muli %while3A_108, %mul3A_110 : i32
        %get3A_112 = arith.constant 0 : index
        %get3A_113 = arith.index_cast %mul3A_111 : i32 to index
        %get3A_114 = vector.load %arg1[%get3A_112, %get3A_113] : memref<4x20480xf32, #tpu.memory_space<vmem>>, vector<1x1024xf32>
        %get3A_115 = arith.constant 1 : index
        %get3A_116 = arith.index_cast %mul3A_111 : i32 to index
        %get3A_117 = vector.load %arg1[%get3A_115, %get3A_116] : memref<4x20480xf32, #tpu.memory_space<vmem>>, vector<1x1024xf32>
        %get3A_118 = arith.constant 2 : index
        %get3A_119 = arith.index_cast %mul3A_111 : i32 to index
        %get3A_120 = vector.load %arg1[%get3A_118, %get3A_119] : memref<4x20480xf32, #tpu.memory_space<vmem>>, vector<1x1024xf32>
        %get3A_121 = arith.constant 3 : index
        %get3A_122 = arith.index_cast %mul3A_111 : i32 to index
        %get3A_123 = vector.load %arg1[%get3A_121, %get3A_122] : memref<4x20480xf32, #tpu.memory_space<vmem>>, vector<1x1024xf32>
        %sub3A_124 = arith.subf %get3A_120, %get3A_114 : vector<1x1024xf32>
        %sub3A_125 = arith.subf %get3A_123, %get3A_117 : vector<1x1024xf32>
        %mul3A_126 = arith.mulf %sub3A_124, %sub3A_125 : vector<1x1024xf32>
        %max3A_127 = vector.broadcast %get3A_27 : vector<1024x1xf32> to vector<1024x1024xf32>
        %max3A_128 = vector.broadcast %get3A_114 : vector<1x1024xf32> to vector<1024x1024xf32>
        %max3A_129 = arith.maximumf %max3A_127, %max3A_128 : vector<1024x1024xf32>
        %max3A_130 = vector.broadcast %get3A_30 : vector<1024x1xf32> to vector<1024x1024xf32>
        %max3A_131 = vector.broadcast %get3A_117 : vector<1x1024xf32> to vector<1024x1024xf32>
        %max3A_132 = arith.maximumf %max3A_130, %max3A_131 : vector<1024x1024xf32>
        %min3A_133 = vector.broadcast %get3A_33 : vector<1024x1xf32> to vector<1024x1024xf32>
        %min3A_134 = vector.broadcast %get3A_120 : vector<1x1024xf32> to vector<1024x1024xf32>
        %min3A_135 = arith.minimumf %min3A_133, %min3A_134 : vector<1024x1024xf32>
        %min3A_136 = vector.broadcast %get3A_36 : vector<1024x1xf32> to vector<1024x1024xf32>
        %min3A_137 = vector.broadcast %get3A_123 : vector<1x1024xf32> to vector<1024x1024xf32>
        %min3A_138 = arith.minimumf %min3A_136, %min3A_137 : vector<1024x1024xf32>
        %sub3A_139 = arith.subf %min3A_135, %max3A_129 : vector<1024x1024xf32>
        %max3A_140 = arith.constant 0.000000e+00 : f32
        %max3A_141 = vector.broadcast %max3A_140 : f32 to vector<1024x1024xf32>
        %max3A_142 = arith.maximumf %sub3A_139, %max3A_141 : vector<1024x1024xf32>
        %sub3A_143 = arith.subf %min3A_138, %max3A_132 : vector<1024x1024xf32>
        %max3A_144 = arith.constant 0.000000e+00 : f32
        %max3A_145 = vector.broadcast %max3A_144 : f32 to vector<1024x1024xf32>
        %max3A_146 = arith.maximumf %sub3A_143, %max3A_145 : vector<1024x1024xf32>
        %mul3A_147 = arith.mulf %max3A_142, %max3A_146 : vector<1024x1024xf32>
        %add3A_148 = vector.broadcast %mul3A_38 : vector<1024x1xf32> to vector<1024x1024xf32>
        %add3A_149 = vector.broadcast %mul3A_126 : vector<1x1024xf32> to vector<1024x1024xf32>
        %add3A_150 = arith.addf %add3A_148, %add3A_149 : vector<1024x1024xf32>
        %sub3A_151 = arith.subf %add3A_150, %mul3A_147 : vector<1024x1024xf32>
        %add3A_152 = arith.constant 9.99999971E-10 : f32
        %add3A_153 = vector.broadcast %add3A_152 : f32 to vector<1024x1024xf32>
        %add3A_154 = arith.addf %sub3A_151, %add3A_153 : vector<1024x1024xf32>
        %div3A_155 = arith.divf %mul3A_147, %add3A_154 : vector<1024x1024xf32>
        %gt3A_156 = arith.constant 0.699999988 : f32
        %gt3A_157 = vector.broadcast %gt3A_156 : f32 to vector<1024x1024xf32>
        %gt3A_158 = arith.cmpf ogt, %div3A_155, %gt3A_157 : vector<1024x1024xf32>
        %jit3A_159 = arith.constant 1.000000e+00 : f32
        %jit3A_160 = arith.constant 0.000000e+00 : f32
        %broadcast_in_dim3A_161 = vector.broadcast %jit3A_159 : f32 to vector<1024x1024xf32>
        %broadcast_in_dim3A_162 = vector.broadcast %jit3A_160 : f32 to vector<1024x1024xf32>
        %select_n3A_163 = arith.select %gt3A_158, %broadcast_in_dim3A_161, %broadcast_in_dim3A_162 : vector<1024x1024xi1>, vector<1024x1024xf32>
        %dot_general3A = arith.constant dense<0.000000e+00> : vector<1x1024xf32>
        %dot_general3A_164 = tpu.matmul %while3A_90#0, %select_n3A_163, %dot_general3A {dimension_numbers = #tpu.dot_dimension_numbers<[1], [0], [0], [1], [0, 0, 1, 1], [], []>, transpose_lhs_hint = false} : vector<1x1024xf32>, vector<1024x1024xf32>, vector<1x1024xf32> -> vector<1x1024xf32>
        %get3A_165 = arith.constant 0 : index
        %get3A_166 = arith.index_cast %mul3A_111 : i32 to index
        %get3A_167 = vector.load %arg3[%get3A_165, %get3A_166] : memref<1x20480xf32, #tpu.memory_space<vmem>>, vector<1x1024xf32>
        %gt3A_168 = arith.constant 5.000000e-01 : f32
        %gt3A_169 = vector.broadcast %gt3A_168 : f32 to vector<1x1024xf32>
        %gt3A_170 = arith.cmpf ogt, %dot_general3A_164, %gt3A_169 : vector<1x1024xf32>
        %jit3A_171 = arith.constant 0.000000e+00 : f32
        %broadcast_in_dim3A_172 = vector.broadcast %jit3A_171 : f32 to vector<1x1024xf32>
        %select_n3A_173 = arith.select %gt3A_170, %broadcast_in_dim3A_172, %get3A_167 : vector<1x1024xi1>, vector<1x1024xf32>
        %swap3A_174 = arith.constant 0 : index
        %swap3A_175 = arith.index_cast %mul3A_111 : i32 to index
        %swap3A_176 = vector.load %arg3[%swap3A_174, %swap3A_175] : memref<1x20480xf32, #tpu.memory_space<vmem>>, vector<1x1024xf32>
        tpu.vector_store %arg3[%swap3A_174, %swap3A_175], %select_n3A_173 {strides = array<i32>} : memref<1x20480xf32, #tpu.memory_space<vmem>>, vector<1x1024xf32>,
        %while3A_177 = arith.constant 0 : i32
        scf.yield %while3A_177 : i32
      }
      %while3A_107 = arith.constant 0 : i32
      scf.yield %while3A_107 : i32
    }
    return
  }
}

</mosaic_0001>

<sc_bundles>
// kernel: gather_offload_async_start
scs
__scs_entry_jumppad:
0x0: {  	(pc) =	sbr.rel $0x88, $3  }
0x1: {  	(tag) =	ssettag $0x0;
	lr =	simm.s32 $0x1  }
0x2: {  	[smem:$0x3F9F] =	sst lr;
	_ =	strace $0xD0000000  }
0x3: {  	_ = 	snop  }
0x4: {  	_ = 	snop  }
0x5: {  	_ = 	snop  }
0x6: {  	_ = 	snop  }
0x7: {  	_ = 	snop  }
__scs_overlays_trampoline_lowered:
0x8: {  	[smem:$0x3FAE] =	sst s0  }
0x9: {  	[smem:$0x3FAF] =	sst s1  }
0xa: {  	[smem:$0x3FB0] =	sst s2  }
0xb: {  	[smem:$0x3FB1] =	sst s3  }
0xc: {  	[smem:$0x3FB2] =	sst s4  }
0xd: {  	[smem:$0x3FB3] =	sst s5  }
0xe: {  	[smem:$0x3FB4] =	sst s6  }
0xf: {  	[smem:$0x3FB5] =	sst s7  }
0x10: {  	[smem:$0x3FB6] =	sst s8  }
0x11: {  	[smem:$0x3FB7] =	sst s9;
	s0 =	simm.s32 @!p0 $0x0  }
0x12: {  	s1 =	sld [smem:$0x3F9D];
	s0 =	simm.s32 @p0 $0x1  }
0x13: {  	[smem:$0x3FB8] =	sst s0;
	s0 =	simm.s32 @!p1 $0x0  }
0x14: {  	s2 =	sld [smem:$0x3F9C];
	s0 =	simm.s32 @p1 $0x1  }
0x15: {  	[smem:$0x3FB9] =	sst s0;
	s0 =	simm.s32 @!p2 $0x0  }
0x16: {  	s3 =	sld [smem:$0x3FDB];
	s0 =	simm.s32 @p2 $0x1  }
0x17: {  	s4 =	simm.s32 $0x1BF5;
	[smem:$0x3FBB] =	sst s0  }
0x18: {  	s0 =	sld [smem:$0x3F9E];
	_ =	swait.ge [sflag:s4], $0x0  }
0x19: {  	s7 =	sld [smem:$0x3F9F]  }
0x1a: {  	s8 =	sadd.s32 $0xFFFFE003, lr  }
0x1b: {  	s9 =	sadd.s32 $0xFFFFFEF7, lr;
	s5 =	simm.s32 $0xFFFFFFFF;
	p2 =	slt.u32 s8, $0xFFFFF086  }
0x1c: {  	p1 =	slt.u32 s9, $0xF7A;
	s5 =	simm.s32 @!p2 $0x0  }
0x1d: {  	s5 =	simm.s32 @p1 $0x1;
	p0 =	seq.s32 s7, s2  }
0x1e: {  	s7 =	smul.u32 @!p0 $0xF7A, s2;
	p2 =	seq.s32 @!p0 s5, $0x0  }
0x1f: {  	s9 =	smul.u32 $0xF7A, s1;
	s8 =	simm.s32 @!p0 $0x1BF5;
	p2 =	por !p2, p0  }
0x20: {  	[sflag:s8] =	ssyncset.s32 @!p0 $0xFFFFF086;
	s6 =	sadd.s32 @!p0 s3, s7;
	s7 =	simm.s32 @!p0 $0x108  }
0x21: {  	s3 =	sadd.s32 s3, s9;
	s6 =	sadd.s32 @!p0 $0x88, s6;
	s7 =	simm.s32 @p2 $0x1082  }
0x22: {  	[simem:s7], [sflag:s8] =	dma.local @!p0 [hbm:s6], $0xF7A  }
0x23: {  	s9 =	sor.u32 $0xD0000000, s2;
	s6 =	simm.s32 $0x108;
	_ =	swait.ge @!p0 [sflag:s8], $0x0  }
0x24: {  	s3 =	sadd.s32 $0x88, s3;
	s6 =	simm.s32 @!p1 $0x1082;
	[sflag:s4] =	ssyncset.s32 $0xFFFFF086  }
0x25: {  	[simem:s6], [sflag:s4] =	dma.local [hbm:s3], $0xF7A  }
0x26: {  	[smem:$0x3F9F] =	sst s1;
	(tag) =	ssettag s2;
	_ =	strace s9  }
0x27: {  	s1 =	sld [smem:$0x3FAF]  }
0x28: {  	s2 =	sld [smem:$0x3FB0]  }
0x29: {  	s4 =	sld [smem:$0x3FB2]  }
0x2a: {  	p0 =	seq.s32 s5, $0x0;
	s5 =	sld [smem:$0x3FB3]  }
0x2b: {  	s6 =	sld [smem:$0x3FB4]  }
0x2c: {  	s7 =	sld [smem:$0x3FB5]  }
0x2d: {  	s3 =	simm.s32 $0x108;
	s8 =	sld [smem:$0x3FB6]  }
0x2e: {  	s3 =	simm.s32 @!p0 $0x1082;
	s9 =	sld [smem:$0x3FB7]  }
0x2f: {  	lr =	sadd.s32 s0, s3;
	s0 =	sld [smem:$0x3FAE]  }
0x30: {  	s3 =	sld [smem:$0x3FB1]  }
0x31: {  	[smem:$0x3FBA] =	sst s10  }
0x32: {  	s10 =	sld [smem:$0x3FB8];
	_ =	sdelay $0x3  }
0x33: {  	p0 =	seq.s32 s10, $0x1;
	s10 =	sld [smem:$0x3FBA];
	_ =	sdelay $0x3  }
0x34: {  	[smem:$0x3FBA] =	sst s10  }
0x35: {  	s10 =	sld [smem:$0x3FB9];
	_ =	sdelay $0x3  }
0x36: {  	p1 =	seq.s32 s10, $0x1;
	s10 =	sld [smem:$0x3FBA];
	_ =	sdelay $0x3  }
0x37: {  	[smem:$0x3FBA] =	sst s10  }
0x38: {  	s10 =	sld [smem:$0x3FBB]  }
0x39: {  	_ = 	snop;
	(pc) =	sbr.ind lr, $3  }
0x3a: {  	_ = 	snop  }
0x3b: {  	_ = 	snop  }
0x3c: {  	p2 =	seq.s32 s10, $0x1;
	s10 =	sld [smem:$0x3FBA]  }
0x3d: {  	_ =	shalt  }
0x3e: {  	_ =	shalt  }
0x3f: {  	_ =	shalt  }
0x40: {  	_ =	shalt  }
0x41: {  	_ =	shalt  }
0x42: {  	_ =	shalt  }
0x43: {  	_ =	shalt  }
0x44: {  	_ =	shalt  }
0x45: {  	_ =	shalt  }
0x46: {  	_ =	shalt  }
0x47: {  	_ =	shalt  }
0x48: {  	_ =	shalt  }
0x49: {  	_ =	shalt  }
0x4a: {  	_ =	shalt  }
0x4b: {  	_ =	shalt  }
0x4c: {  	_ =	shalt  }
0x4d: {  	_ =	shalt  }
0x4e: {  	_ =	shalt  }
0x4f: {  	_ =	shalt  }
0x50: {  	_ =	shalt  }
0x51: {  	_ =	shalt  }
0x52: {  	_ =	shalt  }
0x53: {  	_ =	shalt  }
0x54: {  	_ =	shalt  }
0x55: {  	_ =	shalt  }
0x56: {  	_ =	shalt  }
0x57: {  	_ =	shalt  }
0x58: {  	_ =	shalt  }
0x59: {  	_ =	shalt  }
0x5a: {  	_ =	shalt  }
0x5b: {  	_ =	shalt  }
0x5c: {  	_ =	shalt  }
0x5d: {  	_ =	shalt  }
0x5e: {  	_ =	shalt  }
0x5f: {  	_ =	shalt  }
0x60: {  	_ =	shalt  }
0x61: {  	_ =	shalt  }
0x62: {  	_ =	shalt  }
0x63: {  	_ =	shalt  }
0x64: {  	_ =	shalt  }
0x65: {  	_ =	shalt  }
0x66: {  	_ =	shalt  }
0x67: {  	_ =	shalt  }
0x68: {  	_ =	shalt  }
0x69: {  	_ =	shalt  }
0x6a: {  	_ =	shalt  }
0x6b: {  	_ =	shalt  }
0x6c: {  	_ =	shalt  }
0x6d: {  	_ =	shalt  }
0x6e: {  	_ =	shalt  }
0x6f: {  	_ =	shalt  }
0x70: {  	_ =	shalt  }
0x71: {  	_ =	shalt  }
0x72: {  	_ =	shalt  }
0x73: {  	_ =	shalt  }
0x74: {  	_ =	shalt  }
0x75: {  	_ =	shalt  }
0x76: {  	_ =	shalt  }
0x77: {  	_ =	shalt  }
0x78: {  	_ =	shalt  }
0x79: {  	_ =	shalt  }
0x7a: {  	_ =	shalt  }
0x7b: {  	_ =	shalt  }
0x7c: {  	_ =	shalt  }
0x7d: {  	_ =	shalt  }
0x7e: {  	_ =	shalt  }
0x7f: {  	_ =	shalt  }
0x80: {  	_ =	shalt  }
0x81: {  	_ =	shalt  }
0x82: {  	_ =	shalt  }
0x83: {  	_ =	shalt  }
0x84: {  	_ =	shalt  }
0x85: {  	_ =	shalt  }
0x86: {  	_ =	shalt  }
0x87: {  	_ =	shalt  }
.Lfunc_end0:
.L_simem_size_0:
called_computation_lowered:
.L_overlay_start_0:
0x88: {  	s2 =	sld [smem:$0x3FD9]  }
0x89: {  	s3 =	sld [smem:$0x3FFE];
	_ =	sdelay $0x1  }
0x8a: {  	s1 =	srdreg.scid  }
0x8b: {  	s0 =	sand.u32 $0x1, s1  }
0x8c: {  	s17 =	sshll.u32 s0, $0xA;
	s2 =	sadd.s32 s3, s2  }
0x8d: {  	s2 =	sadd.s32 s2, s17  }
0x8e: {  	[smem:$0x3FC6] =	sst s2  }
0x8f: {  	_ = 	snop  }
0x90: {  	s2 =	sld [smem:$0x3FD0];
	(tm) =	ssettm $0x1  }
0x91: {  	s18 =	sld [smem:$0x3FFB];
	_ =	sdelay $0x3  }
0x92: {  	_ =	strace s18  }
0x93: {  	s3 =	sld [smem:$0x3FFC];
	_ =	sdelay $0x3  }
0x94: {  	_ =	strace s3  }
0x95: {  	s3 =	sld [smem:$0x3FFD];
	_ =	sdelay $0x3  }
0x96: {  	_ =	strace s3  }
0x97: {  	_ =	strace $0x8FFFFFFF  }
0x98: {  	s19 =	sld [smem:$0x3FDB];
	_ =	sdelay $0x1  }
0x99: {  	s4 =	simm.s32 $_scs_section_size  }
0x9a: {  	s5 =	simm.s32 $_size__tile_overlayer_lowered;
	s6 =	simm.s32 $_tile_overlayer_lowered  }
0x9b: {  	s22 =	simm.s32 $0x1BFF;
	s21 =	sshll.u32 s6, $0x1;
	s3 =	sadd.s32 s4, s19  }
0x9c: {  	s7 =	simm.s32 $0x0;
	s20 =	sshll.u32 s5, $0x1;
	s5 =	sadd.s32 s21, s3  }
0x9d: {  	[timem:s7], [sflag:s22] =	dma.local [hbm:s5], s20  }
0x9e: {  	_ =	swait.ge [sflag:s22], s20  }
0x9f: {  	s4 =	ssub.s32 $0x0, s20;
	[sflag:s22] =	ssyncset.done $0x0  }
0xa0: {  	[sflag:s22] =	ssyncadd.s32 s4;
	_ =	sdelay $0x1  }
0xa1: {  	s23 =	simm.s32 $0x1B8B  }
0xa2: {  	_ =	swait.ge [sflag:s23], $0x1  }
0xa3: {  	[sflag:s23] =	ssyncset.done $0x0  }
0xa4: {  	s25 =	simm.s32 $0x1B8E;
	s24 =	sld [smem:$0x3FFE];
	[sflag:s23] =	ssyncadd.s32 $0xFFFFFFFF  }
0xa5: {  	s26 =	simm.s32 $execute0_lowered;
	[smem:$0x3FD2] =	sst s25  }
0xa6: {  	s5 =	sshll.u32 s26, $0x1;
	_ =	strace $0x80000049;
	[dreg:$0x1] =	wrdreg $0xFFFFFFFF  }
0xa7: {  	s28 =	simm.s32 $_size_execute0_lowered;
	s3 =	sadd.s32 s3, s5;
	[dreg:$0x0] =	wrdreg $0x0  }
0xa8: {  	s5 =	sshll.u32 s28, $0x1;
	[dreg:$0x2] =	wrdreg s3  }
0xa9: {  	[dreg:$0x3] =	wrdreg s5  }
0xaa: {  	[dreg:$0x4] =	wrdreg $0xC0  }
0xab: {  	_ =	task [dreg:s7], $0x5FFFF  }
0xac: {  	[dreg:$0x1] =	wrdreg $0xFFFFFFFF  }
0xad: {  	[dreg:$0x0] =	wrdreg $0x60  }
0xae: {  	[dreg:$0x2] =	wrdreg s24  }
0xaf: {  	[dreg:$0x3] =	wrdreg s2  }
0xb0: {  	[dreg:$0x4] =	wrdreg $0x9  }
0xb1: {  	_ =	task.clear_ibuf [dreg:s7], $0x5FFFF;
	_ =	strace $0x90000049  }
0xb2: {  	s29 =	simm.s32 $0x9;
	_ =	strace $0x8000004B  }
0xb3: {  	_ =	swait.ge [sflag:s29], $0x1  }
0xb4: {  	[sflag:s29] =	ssyncadd.s32 $0xFFFFFFFF  }
0xb5: {  	_ =	strace $0x9000004B  }
0xb6: {  	_ =	sfence  }
0xb7: {  	s30 =	sld [smem:$0x0];
	_ =	sdelay $0x2  }
0xb8: {  	s31 =	sshll.u32 s1, $0xD;
	s1 =	sshrl.u32 s1, $0x2  }
0xb9: {  	s3 =	sand.u32 $0x4000, s31;
	s1 =	sadd.s32 s1, s30  }
0xba: {  	s0 =	sor.u32 s3, s0;
	s1 =	sshll.u32 s1, $0x11  }
0xbb: {  	s0 =	sor.u32 s1, s0  }
0xbc: {  	s0 =	sadd.s32 $0x8F2B, s0  }
0xbd: {  	[sflag:s0] =	ssyncadd.remote.s32 $0x1  }
0xbe: {  	_ =	sfence.sel $0xFFFF  }
0xbf: {  	[dreg:$0x0] =	wrdreg $0xFFFFFFFF;
	(pc) =	sbr.abs _section_cstart, $3  }
0xc0: {  	[dreg:$0x1] =	wrdreg $0xFFFFFFFF  }
0xc1: {  	_ =	task.clear_ibuf [dreg:s7], $0x2FFFF;
	_ =	strace $0x9FFFFFFF  }
0xc2: {  	(tm) =	ssettm $0x7FFFFFFF  }
0xc3: {  	_ =	shalt  }
tec
execute0_lowered:
.L_overlay_start_1:
0x0: {  	(tag) =	ssettag $0x1  }
0x1: {  	s0 =	srdreg.scid  }
0x2: {  	s1 =	sshll.u32 s0, $0x4  }
0x3: {  	s0 =	stileid.u32;
	s1 =	sand.u32 $0x10, s1  }
0x4: {  	s2 =	sor.u32 s0, s1  }
0x5: {  	s3 =	smin.u32 s2, $0x10  }
0x6: {  	s1 =	sshll.u32 s1, $0x4;
	s2 =	sshll.u32 s2, $0x9;
	s3 =	sshll.u32 s3, $0x8  }
0x7: {  	s9 =	rddreg [dreg:$0x0];
	s1 =	sxor.u32 $0x300, s1;
	s2 =	sadd.s32 s2, s3  }
0x8: {  	s6 =	simm.s32 $0x1;
	s7 =	simm.s32 $0x2;
	s1 =	sadd.s32 s1, s2  }
0x9: {  	s10 =	simm.s32 $0x3;
	s13 =	simm.s32 $0x0;
	s4 =	smin.u32 s1, $0x5000  }
0xa: {  	s12 =	simm.s32 $0x0;
	s5 =	sadd.s32 $0xC00, s9;
	s8 =	ssub.s32 s4, s2  }
.Ltmp0:
0xb: {  	s3 =	rddreg [dreg:$0x1];
	p0 =	sgt.s32 s8, $0x0;
	(pc) =	sbr.rel .LBB2_1-.Ltmp0, $4  }
0xc: {  	s1 =	rddreg [dreg:$0x2];
	_ =	strace $0x8000004A;
	s8 =	simm.s32 @!p0 $0x0  }
0xd: {  	s9 =	sadd.s32 $0x4EE00, s9;
	[sflag:s6] =	ssyncpa.u1 $0x0;
	s8 =	sadd.s32 $0xFF, s8  }
0xe: {  	s11 =	smov.u32 s2;
	[sflag:s7] =	ssyncpa.u1 $0x0;
	s8 =	sshrl.u32 s8, $0x8  }
0xf: {  	vm0 =	vmmov $0xff;
	vm1 =	vcmask $0x3F20;
	[sflag:s10] =	ssyncpa.u1 $0x0;
	p0 =	por $0x0, $0x0;
	s10 =	sadd.s32 $0x1, s8  }
.LBB2_6:
0x10: {  	[hbm:s17] =	stream.linear.scatter [tilespmem:s14], [sflag:$0x3], $0x400, $0x38;
	[tilespmem:$0x10200] =	vst v63  }
.LBB2_7:
0x11: {  	s13 =	sadd.s32 $0x100, s11  }
0x12: {  	s15 =	smov.u32 s2;
	p2 =	slt.s32 s13, s4  }
0x13: {  	s15 =	smov.u32 @p2 s13;
	p2 =	sne.s32 s12, s10  }
.Ltmp1:
0x14: {  	p1 =	slt.u32 s12, $0x2;
	(pc) =	sbr.rel @!p2 .LBB2_8-.Ltmp1, $4  }
0x15: {  	s14 =	simm.s32 @!p1 $0x3  }
0x16: {  	s16 =	sadd.s32 $0x1, s12;
	_ =	swait.ge @!p1 [sflag:s14], $0x8000  }
0x17: {  	p0 =	por !p0, !p0;
	s13 =	smov.u32 s11;
	[sflag:s14] =	ssyncset.done @!p1 $0x0  }
0x18: {  	s12 =	smov.u32 s16;
	s11 =	smov.u32 s15;
	[sflag:s14] =	ssyncadd.s32 @!p1 $0xFFFF8000  }
.LBB2_1:
0x19: {  	p1 =	sge.u32 s12, s8  }
0x1a: {  	s14 =	sxor.u32 @!p1 $0xFFFFFFFF, s12  }
0x1b: {  	s31 =	sadd.s32 $0xFFFFFFFF, s12;
	s15 =	sshrl.u32 @!p1 s11, $0x3;
	s14 =	sshll.u32 @!p1 s14, $0x8  }
0x1c: {  	s16 =	sand.u32 @!p1 $0x7, s11;
	s15 =	sadd.s32 @!p1 s3, s15;
	s14 =	sand.u32 @!p1 $0x100, s14  }
0x1d: {  	[tilespmem:s14], [sflag:$0x2] =	stream.linear.gather @!p1 [hbm4b:s15+s16], $0x100, $0x38;
	[tilespmem:$0x10200] =	vst v63  }
0x1e: {  	p1 =	sge.u32 s31, s8  }
.Ltmp2:
0x1f: {  	_ = 	snop;
	(pc) =	sbr.rel @p1 .LBB2_7-.Ltmp2, $1  }
0x20: {  	_ =	sdelay $0x3  }
0x21: {  	s14 =	simm.s32 $0x1  }
0x22: {  	_ =	swait.ge [sflag:s7], $0x100;
	s14 =	simm.s32 @!p0 $0x0  }
0x23: {  	[sflag:s7] =	ssyncset.done $0x0;
	s16 =	sshll.u32 s14, $0x8  }
0x24: {  	[sflag:s7] =	ssyncadd.s32 $0xFFFFFF00;
	s15 =	sadd.s32 $0x0, s16  }
0x25: {  	v0 =	vld.msk [tilespmem:s15+$0x0 ss:$0x1], $0xffff;
	_ =	sdelay $0x4  }
0x26: {  	vm2 =	vgt.s32 v0, $0x0  }
0x27: {  	v0 =	vnsel vm2, $0x0, v0  }
0x28: {  	v0 =	vmin.u32 v0, $0x4E1F  }
0x29: {  	v0 =	vshll.u32 v0, $0x4;
	_ =	sdelay $0x2  }
0x2a: {  	s14 =	sshll.u32 s14, $0xF  }
0x2b: {  	s14 =	sor.u32 $0x200, s14  }
0x2c: {  	[tilespmem:s14], [sflag:$0x1] =	stream.indirect_vreg.gather [hbm:s5], $0x80, v0, vm0, $0x38;
	[tilespmem:$0x10200] =	vst v63  }
0x2d: {  	s17 =	sadd.s32 $0x10, s16;
	s15 =	sadd.s32 $0x400, s14  }
0x2e: {  	[tilespmem:s15], [sflag:$0x1] =	stream.indirect_vreg.gather [hbm:s5], $0x80, v0, vm1, $0x38;
	[tilespmem:$0x10200] =	vst v63  }
0x2f: {  	s18 =	simm.s32 $0x80;
	v0 =	vld.msk [tilespmem:s17+$0x0 ss:$0x1], $0xffff;
	s17 =	smov.u32 s14  }
.LBB2_3:
0x30: {  	p1 =	sne.s32 s18, $0x3C0;
	_ =	sdelay $0x4  }
0x31: {  	vm2 =	vgt.s32 v0, $0x0  }
0x32: {  	v0 =	vnsel vm2, $0x0, v0  }
0x33: {  	v0 =	vmin.u32 v0, $0x4E1F  }
0x34: {  	v0 =	vshll.u32 v0, $0x4;
	_ =	sdelay $0x3  }
.Ltmp3:
0x35: {  	s19 =	sshra.s32 s18, $0x2;
	s17 =	sadd.s32 $0x800, s17;
	(pc) =	sbr.rel @p1 .LBB2_3-.Ltmp3, $4  }
0x36: {  	[tilespmem:s17], [sflag:$0x1] =	stream.indirect_vreg.gather [hbm:s5], $0x80, v0, vm0, $0x38;
	[tilespmem:$0x10200] =	vst v63  }
0x37: {  	s19 =	sadd.s32 s19, s16;
	s20 =	sadd.s32 $0x400, s17  }
0x38: {  	[tilespmem:s20], [sflag:$0x1] =	stream.indirect_vreg.gather [hbm:s5], $0x80, v0, vm1, $0x38;
	[tilespmem:$0x10200] =	vst v63  }
0x39: {  	s18 =	sadd.s32 $0x40, s18;
	v0 =	vld.msk [tilespmem:s19+$0x0 ss:$0x1], $0xffff  }
0x3a: {  	_ =	sdelay $0x3  }
0x3b: {  	vm2 =	vgt.s32 v0, $0x0  }
0x3c: {  	v0 =	vnsel vm2, $0x0, v0  }
0x3d: {  	v0 =	vmin.u32 v0, $0x4E1F  }
0x3e: {  	v0 =	vshll.u32 v0, $0x4;
	_ =	sdelay $0x3  }
0x3f: {  	s16 =	sadd.s32 $0x800, s17  }
0x40: {  	[tilespmem:s16], [sflag:$0x1] =	stream.indirect_vreg.gather [hbm:s5], $0x80, v0, vm0, $0x38;
	[tilespmem:$0x10200] =	vst v63  }
0x41: {  	s16 =	sadd.s32 $0x400, s16  }
0x42: {  	[tilespmem:s16], [sflag:$0x1] =	stream.indirect_vreg.gather [hbm:s5], $0x80, v0, vm1, $0x38;
	[tilespmem:$0x10200] =	vst v63  }
0x43: {  	s13 =	sshll.u32 s13, $0x4;
	_ =	swait.ge [sflag:s6], $0x8000  }
0x44: {  	s13 =	sadd.s32 s13, s9;
	[sflag:s6] =	ssyncset.done $0x0  }
0x45: {  	s17 =	sadd.s32 $0x0, s13;
	s16 =	simm.s32 $0x80;
	[sflag:s6] =	ssyncadd.s32 $0xFFFF8000  }
.LBB2_5:
0x46: {  	[hbm:s17] =	stream.linear.scatter [tilespmem:s14], [sflag:$0x3], $0x400, $0x38;
	[tilespmem:$0x10200] =	vst v63  }
0x47: {  	s17 =	smov.u32 s16;
	s14 =	smov.u32 s15;
	p1 =	sne.s32 s16, $0xF80  }
.Ltmp4:
0x48: {  	s16 =	sadd.s32 $0x80, s16;
	(pc) =	sbr.rel @p1 .LBB2_5-.Ltmp4, $2  }
0x49: {  	_ =	sdelay $0x2  }
0x4a: {  	s15 =	sadd.s32 $0x400, s15;
	s17 =	sadd.s32 s17, s13  }
.Ltmp5:
0x4b: {  	_ = 	snop;
	(pc) =	sbr.rel .LBB2_6-.Ltmp5, $1  }
0x4c: {  	_ =	sdelay $0x3  }
.LBB2_8:
0x4d: {  	_ =	sfence.sel $0x180000  }
0x4e: {  	s2 =	simm.s32 $0x2;
	[bflag:$0x0] =	sbarrier.arrive $0xFFFF  }
0x4f: {  	s30 =	simm.s32 $0x3;
	[sflag:s2] =	ssyncpa.u1 $0x1  }
0x50: {  	s31 =	simm.s32 $0x1;
	[sflag:s30] =	ssyncpa.u1 $0x1  }
0x51: {  	[sflag:s31] =	ssyncpa.u1 $0x1  }
0x52: {  	p0 =	sne.s32 s0, $0x0;
	_ =	strace $0x9000004A  }
0x53: {  	s0 =	sadd.s32 @!p0 $0x100000, s1;
	[bflag:$0x2] =	sbarrier.arrive $0xFFFF  }
0x54: {  	[sflag:s0] =	ssyncadd.tile.s32 @!p0 $0x1;
	_ =	shalt  }
.Lfunc_end2:
_tile_overlayer_lowered:
.L_overlay_start_2:
0x55: {  	(tag) =	ssettag $0x2  }
0x56: {  	s0 =	rddreg [dreg:$0x0];
	s2 =	stileid.u32  }
0x57: {  	s1 =	rddreg [dreg:$0x1];
	p0 =	sne.s32 s2, $0x0  }
0x58: {  	s3 =	rddreg [dreg:$0x2];
	[bflag:$0x3] =	sbarrier.arrive $0xFFFF;
	s2 =	simm.s32 @!p0 $0x1C01  }
0x59: {  	[timem:s3], [sflag:s2] =	dma.local @!p0 [hbm:s0], s1  }
0x5a: {  	s0 =	simm.s32 @!p0 $0x1  }
0x5b: {  	_ =	swait.ge @!p0 [sflag:s0], s1  }
0x5c: {  	s1 =	ssub.s32 @!p0 $0x0, s1;
	[sflag:s0] =	ssyncset.done @!p0 $0x0  }
0x5d: {  	[sflag:s0] =	ssyncadd.s32 @!p0 s1  }
0x5e: {  	[bflag:$0x3] =	sbarrier.arrive $0xFFFF  }
0x5f: {  	_ =	shalt  }

// kernel: kernel.4.cloned.1.call-start
scs
__scs_entry_jumppad:
0x0: {  	(pc) =	sbr.rel $0x88, $3  }
0x1: {  	(tag) =	ssettag $0x0;
	lr =	simm.s32 $0x1  }
0x2: {  	[smem:$0x3F9F] =	sst lr;
	_ =	strace $0xD0000000  }
0x3: {  	_ = 	snop  }
0x4: {  	_ = 	snop  }
0x5: {  	_ = 	snop  }
0x6: {  	_ = 	snop  }
0x7: {  	_ = 	snop  }
__scs_overlays_trampoline_lowered:
0x8: {  	[smem:$0x3FAE] =	sst s0  }
0x9: {  	[smem:$0x3FAF] =	sst s1  }
0xa: {  	[smem:$0x3FB0] =	sst s2  }
0xb: {  	[smem:$0x3FB1] =	sst s3  }
0xc: {  	[smem:$0x3FB2] =	sst s4  }
0xd: {  	[smem:$0x3FB3] =	sst s5  }
0xe: {  	[smem:$0x3FB4] =	sst s6  }
0xf: {  	[smem:$0x3FB5] =	sst s7  }
0x10: {  	[smem:$0x3FB6] =	sst s8  }
0x11: {  	[smem:$0x3FB7] =	sst s9;
	s0 =	simm.s32 @!p0 $0x0  }
0x12: {  	s1 =	sld [smem:$0x3F9D];
	s0 =	simm.s32 @p0 $0x1  }
0x13: {  	[smem:$0x3FB8] =	sst s0;
	s0 =	simm.s32 @!p1 $0x0  }
0x14: {  	s2 =	sld [smem:$0x3F9C];
	s0 =	simm.s32 @p1 $0x1  }
0x15: {  	[smem:$0x3FB9] =	sst s0;
	s0 =	simm.s32 @!p2 $0x0  }
0x16: {  	s3 =	sld [smem:$0x3FDB];
	s0 =	simm.s32 @p2 $0x1  }
0x17: {  	s4 =	simm.s32 $0x1BF5;
	[smem:$0x3FBB] =	sst s0  }
0x18: {  	s0 =	sld [smem:$0x3F9E];
	_ =	swait.ge [sflag:s4], $0x0  }
0x19: {  	s7 =	sld [smem:$0x3F9F]  }
0x1a: {  	s8 =	sadd.s32 $0xFFFFE003, lr  }
0x1b: {  	s9 =	sadd.s32 $0xFFFFFEF7, lr;
	s5 =	simm.s32 $0xFFFFFFFF;
	p2 =	slt.u32 s8, $0xFFFFF086  }
0x1c: {  	p1 =	slt.u32 s9, $0xF7A;
	s5 =	simm.s32 @!p2 $0x0  }
0x1d: {  	s5 =	simm.s32 @p1 $0x1;
	p0 =	seq.s32 s7, s2  }
0x1e: {  	s7 =	smul.u32 @!p0 $0xF7A, s2;
	p2 =	seq.s32 @!p0 s5, $0x0  }
0x1f: {  	s9 =	smul.u32 $0xF7A, s1;
	s8 =	simm.s32 @!p0 $0x1BF5;
	p2 =	por !p2, p0  }
0x20: {  	[sflag:s8] =	ssyncset.s32 @!p0 $0xFFFFF086;
	s6 =	sadd.s32 @!p0 s3, s7;
	s7 =	simm.s32 @!p0 $0x108  }
0x21: {  	s3 =	sadd.s32 s3, s9;
	s6 =	sadd.s32 @!p0 $0x88, s6;
	s7 =	simm.s32 @p2 $0x1082  }
0x22: {  	[simem:s7], [sflag:s8] =	dma.local @!p0 [hbm:s6], $0xF7A  }
0x23: {  	s9 =	sor.u32 $0xD0000000, s2;
	s6 =	simm.s32 $0x108;
	_ =	swait.ge @!p0 [sflag:s8], $0x0  }
0x24: {  	s3 =	sadd.s32 $0x88, s3;
	s6 =	simm.s32 @!p1 $0x1082;
	[sflag:s4] =	ssyncset.s32 $0xFFFFF086  }
0x25: {  	[simem:s6], [sflag:s4] =	dma.local [hbm:s3], $0xF7A  }
0x26: {  	[smem:$0x3F9F] =	sst s1;
	(tag) =	ssettag s2;
	_ =	strace s9  }
0x27: {  	s1 =	sld [smem:$0x3FAF]  }
0x28: {  	s2 =	sld [smem:$0x3FB0]  }
0x29: {  	s4 =	sld [smem:$0x3FB2]  }
0x2a: {  	p0 =	seq.s32 s5, $0x0;
	s5 =	sld [smem:$0x3FB3]  }
0x2b: {  	s6 =	sld [smem:$0x3FB4]  }
0x2c: {  	s7 =	sld [smem:$0x3FB5]  }
0x2d: {  	s3 =	simm.s32 $0x108;
	s8 =	sld [smem:$0x3FB6]  }
0x2e: {  	s3 =	simm.s32 @!p0 $0x1082;
	s9 =	sld [smem:$0x3FB7]  }
0x2f: {  	lr =	sadd.s32 s0, s3;
	s0 =	sld [smem:$0x3FAE]  }
0x30: {  	s3 =	sld [smem:$0x3FB1]  }
0x31: {  	[smem:$0x3FBA] =	sst s10  }
0x32: {  	s10 =	sld [smem:$0x3FB8];
	_ =	sdelay $0x3  }
0x33: {  	p0 =	seq.s32 s10, $0x1;
	s10 =	sld [smem:$0x3FBA];
	_ =	sdelay $0x3  }
0x34: {  	[smem:$0x3FBA] =	sst s10  }
0x35: {  	s10 =	sld [smem:$0x3FB9];
	_ =	sdelay $0x3  }
0x36: {  	p1 =	seq.s32 s10, $0x1;
	s10 =	sld [smem:$0x3FBA];
	_ =	sdelay $0x3  }
0x37: {  	[smem:$0x3FBA] =	sst s10  }
0x38: {  	s10 =	sld [smem:$0x3FBB]  }
0x39: {  	_ = 	snop;
	(pc) =	sbr.ind lr, $3  }
0x3a: {  	_ = 	snop  }
0x3b: {  	_ = 	snop  }
0x3c: {  	p2 =	seq.s32 s10, $0x1;
	s10 =	sld [smem:$0x3FBA]  }
0x3d: {  	_ =	shalt  }
0x3e: {  	_ =	shalt  }
0x3f: {  	_ =	shalt  }
0x40: {  	_ =	shalt  }
0x41: {  	_ =	shalt  }
0x42: {  	_ =	shalt  }
0x43: {  	_ =	shalt  }
0x44: {  	_ =	shalt  }
0x45: {  	_ =	shalt  }
0x46: {  	_ =	shalt  }
0x47: {  	_ =	shalt  }
0x48: {  	_ =	shalt  }
0x49: {  	_ =	shalt  }
0x4a: {  	_ =	shalt  }
0x4b: {  	_ =	shalt  }
0x4c: {  	_ =	shalt  }
0x4d: {  	_ =	shalt  }
0x4e: {  	_ =	shalt  }
0x4f: {  	_ =	shalt  }
0x50: {  	_ =	shalt  }
0x51: {  	_ =	shalt  }
0x52: {  	_ =	shalt  }
0x53: {  	_ =	shalt  }
0x54: {  	_ =	shalt  }
0x55: {  	_ =	shalt  }
0x56: {  	_ =	shalt  }
0x57: {  	_ =	shalt  }
0x58: {  	_ =	shalt  }
0x59: {  	_ =	shalt  }
0x5a: {  	_ =	shalt  }
0x5b: {  	_ =	shalt  }
0x5c: {  	_ =	shalt  }
0x5d: {  	_ =	shalt  }
0x5e: {  	_ =	shalt  }
0x5f: {  	_ =	shalt  }
0x60: {  	_ =	shalt  }
0x61: {  	_ =	shalt  }
0x62: {  	_ =	shalt  }
0x63: {  	_ =	shalt  }
0x64: {  	_ =	shalt  }
0x65: {  	_ =	shalt  }
0x66: {  	_ =	shalt  }
0x67: {  	_ =	shalt  }
0x68: {  	_ =	shalt  }
0x69: {  	_ =	shalt  }
0x6a: {  	_ =	shalt  }
0x6b: {  	_ =	shalt  }
0x6c: {  	_ =	shalt  }
0x6d: {  	_ =	shalt  }
0x6e: {  	_ =	shalt  }
0x6f: {  	_ =	shalt  }
0x70: {  	_ =	shalt  }
0x71: {  	_ =	shalt  }
0x72: {  	_ =	shalt  }
0x73: {  	_ =	shalt  }
0x74: {  	_ =	shalt  }
0x75: {  	_ =	shalt  }
0x76: {  	_ =	shalt  }
0x77: {  	_ =	shalt  }
0x78: {  	_ =	shalt  }
0x79: {  	_ =	shalt  }
0x7a: {  	_ =	shalt  }
0x7b: {  	_ =	shalt  }
0x7c: {  	_ =	shalt  }
0x7d: {  	_ =	shalt  }
0x7e: {  	_ =	shalt  }
0x7f: {  	_ =	shalt  }
0x80: {  	_ =	shalt  }
0x81: {  	_ =	shalt  }
0x82: {  	_ =	shalt  }
0x83: {  	_ =	shalt  }
0x84: {  	_ =	shalt  }
0x85: {  	_ =	shalt  }
0x86: {  	_ =	shalt  }
0x87: {  	_ =	shalt  }
.Lfunc_end0:
.L_simem_size_0:
called_computation.1_lowered:
.L_overlay_start_0:
0x88: {  	s2 =	sld [smem:$0x3FD9]  }
0x89: {  	s3 =	sld [smem:$0x3FFE];
	_ =	sdelay $0x1  }
0x8a: {  	s1 =	srdreg.scid  }
0x8b: {  	s0 =	sand.u32 $0x1, s1  }
0x8c: {  	s17 =	sshll.u32 s0, $0xA;
	s2 =	sadd.s32 s3, s2  }
0x8d: {  	s2 =	sadd.s32 s2, s17  }
0x8e: {  	[smem:$0x3FC6] =	sst s2  }
0x8f: {  	_ = 	snop  }
0x90: {  	s2 =	sld [smem:$0x3FD0];
	(tm) =	ssettm $0x1  }
0x91: {  	s18 =	sld [smem:$0x3FFB];
	_ =	sdelay $0x3  }
0x92: {  	_ =	strace s18  }
0x93: {  	s3 =	sld [smem:$0x3FFC];
	_ =	sdelay $0x3  }
0x94: {  	_ =	strace s3  }
0x95: {  	s3 =	sld [smem:$0x3FFD];
	_ =	sdelay $0x3  }
0x96: {  	_ =	strace s3  }
0x97: {  	_ =	strace $0x8FFFFFFF  }
0x98: {  	s19 =	sld [smem:$0x3FDB];
	_ =	sdelay $0x1  }
0x99: {  	s4 =	simm.s32 $_scs_section_size  }
0x9a: {  	s5 =	simm.s32 $_size__tile_overlayer_lowered;
	s6 =	simm.s32 $_tile_overlayer_lowered  }
0x9b: {  	s22 =	simm.s32 $0x1BFF;
	s21 =	sshll.u32 s6, $0x1;
	s3 =	sadd.s32 s4, s19  }
0x9c: {  	s7 =	simm.s32 $0x0;
	s20 =	sshll.u32 s5, $0x1;
	s5 =	sadd.s32 s21, s3  }
0x9d: {  	[timem:s7], [sflag:s22] =	dma.local [hbm:s5], s20  }
0x9e: {  	_ =	swait.ge [sflag:s22], s20  }
0x9f: {  	s4 =	ssub.s32 $0x0, s20;
	[sflag:s22] =	ssyncset.done $0x0  }
0xa0: {  	[sflag:s22] =	ssyncadd.s32 s4;
	_ =	sdelay $0x1  }
0xa1: {  	s23 =	simm.s32 $0x1B8B  }
0xa2: {  	_ =	swait.ge [sflag:s23], $0x1  }
0xa3: {  	[sflag:s23] =	ssyncset.done $0x0  }
0xa4: {  	s25 =	simm.s32 $0x1B8E;
	s24 =	sld [smem:$0x3FFE];
	[sflag:s23] =	ssyncadd.s32 $0xFFFFFFFF  }
0xa5: {  	s26 =	simm.s32 $execute0_lowered;
	[smem:$0x3FD2] =	sst s25  }
0xa6: {  	s5 =	sshll.u32 s26, $0x1;
	_ =	strace $0x80000046;
	[dreg:$0x1] =	wrdreg $0xFFFFFFFF  }
0xa7: {  	s28 =	simm.s32 $_size_execute0_lowered;
	s3 =	sadd.s32 s3, s5;
	[dreg:$0x0] =	wrdreg $0x0  }
0xa8: {  	s5 =	sshll.u32 s28, $0x1;
	[dreg:$0x2] =	wrdreg s3  }
0xa9: {  	[dreg:$0x3] =	wrdreg s5  }
0xaa: {  	[dreg:$0x4] =	wrdreg $0xC0  }
0xab: {  	_ =	task [dreg:s7], $0x5FFFF  }
0xac: {  	[dreg:$0x1] =	wrdreg $0xFFFFFFFF  }
0xad: {  	[dreg:$0x0] =	wrdreg $0x60  }
0xae: {  	[dreg:$0x2] =	wrdreg s2  }
0xaf: {  	[dreg:$0x3] =	wrdreg s24  }
0xb0: {  	[dreg:$0x4] =	wrdreg $0x9  }
0xb1: {  	_ =	task.clear_ibuf [dreg:s7], $0x5FFFF;
	_ =	strace $0x90000046  }
0xb2: {  	s29 =	simm.s32 $0x9;
	_ =	strace $0x80000048  }
0xb3: {  	_ =	swait.ge [sflag:s29], $0x1  }
0xb4: {  	[sflag:s29] =	ssyncadd.s32 $0xFFFFFFFF  }
0xb5: {  	_ =	strace $0x90000048  }
0xb6: {  	_ =	sfence  }
0xb7: {  	s30 =	sld [smem:$0x0];
	_ =	sdelay $0x2  }
0xb8: {  	s31 =	sshll.u32 s1, $0xD;
	s1 =	sshrl.u32 s1, $0x2  }
0xb9: {  	s3 =	sand.u32 $0x4000, s31;
	s1 =	sadd.s32 s1, s30  }
0xba: {  	s0 =	sor.u32 s3, s0;
	s1 =	sshll.u32 s1, $0x11  }
0xbb: {  	s0 =	sor.u32 s1, s0  }
0xbc: {  	s0 =	sadd.s32 $0x8F2B, s0  }
0xbd: {  	[sflag:s0] =	ssyncadd.remote.s32 $0x1  }
0xbe: {  	_ =	sfence.sel $0xFFFF  }
0xbf: {  	[dreg:$0x0] =	wrdreg $0xFFFFFFFF;
	(pc) =	sbr.abs _section_cstart, $3  }
0xc0: {  	[dreg:$0x1] =	wrdreg $0xFFFFFFFF  }
0xc1: {  	_ =	task.clear_ibuf [dreg:s7], $0x2FFFF;
	_ =	strace $0x9FFFFFFF  }
0xc2: {  	(tm) =	ssettm $0x7FFFFFFF  }
0xc3: {  	_ =	shalt  }
tec
execute0_lowered:
.L_overlay_start_1:
0x0: {  	(tag) =	ssettag $0x1  }
0x1: {  	s1 =	srdreg.scid;
	s0 =	stileid.u32  }
0x2: {  	s3 =	rddreg [dreg:$0x0];
	s5 =	sand.u32 $0x1, s1;
	s6 =	sshll.u32 s0, $0x1  }
0x3: {  	s4 =	rddreg [dreg:$0x1];
	s2 =	simm.s32 $0x0;
	s6 =	sor.u32 s5, s6  }
0x4: {  	[smem:$0x7FF] =	sst s2;
	s5 =	ssub.s32 $0x2, s5;
	s6 =	smul.u32 $0x50, s6  }
0x5: {  	s1 =	rddreg [dreg:$0x2];
	_ =	strace $0x80000047;
	s7 =	sshrl.u32 s5, $0x1  }
0x6: {  	s5 =	ssub.s32 s5, s7;
	s7 =	simm.s32 $0x280;
	s3 =	sadd.s32 s3, s6  }
0x7: {  	s4 =	sadd.s32 s4, s6;
	s5 =	smax.u32 s5, $0x1;
	s6 =	simm.s32 $0x1  }
.LBB2_1:
0x8: {  	[tilespmem:s2], [sflag:$0x1] =	stream.linear.gather [hbm4b:s3+s2], $0x280, $0x38;
	[tilespmem:$0x500] =	vst v63  }
0x9: {  	_ =	swait.ge [sflag:s6], $0x280  }
0xa: {  	[sflag:s6] =	ssyncset.done $0x0  }
0xb: {  	[sflag:s6] =	ssyncadd.s32 $0xFFFFFD80  }
0xc: {  	v0 =	vld [tilespmem:$0x0]  }
0xd: {  	v1 =	vld [tilespmem:$0x10]  }
0xe: {  	v2 =	vld [tilespmem:$0x20]  }
0xf: {  	v3 =	vld [tilespmem:$0x30]  }
0x10: {  	v4 =	vld [tilespmem:$0x40]  }
0x11: {  	v6 =	vld [tilespmem:$0x50];
	v5 =	vsub.f32 $0.0e+00, v0  }
0x12: {  	v7 =	vld [tilespmem:$0x60];
	vm0 =	vgt.f32 v0, $5.000000000e-01;
	v62 =	vsub.f32 $0.0e+00, v1  }
0x13: {  	v8 =	vld [tilespmem:$0x70];
	vm13 =	vgt.f32 v1, $5.000000000e-01;
	v63 =	vsub.f32 $0.0e+00, v2;
	v5 =	vnsel vm0, $0x7F800000, v5  }
0x14: {  	v12 =	vld [tilespmem:$0x80];
	vm14 =	vgt.f32 v2, $5.000000000e-01;
	v11 =	vsub.f32 $0.0e+00, v3;
	v0 =	vnsel vm13, $0x7F800000, v62;
	[tilespmem:$0x280] =	vst v5  }
0x15: {  	v15 =	vld [tilespmem:$0x90];
	vm15 =	vgt.f32 v3, $5.000000000e-01;
	v14 =	vsub.f32 $0.0e+00, v4;
	v13 =	vnsel vm14, $0x7F800000, v63;
	[tilespmem:$0x290] =	vst v0  }
0x16: {  	v18 =	vld [tilespmem:$0xA0];
	vm4 =	vgt.f32 v4, $5.000000000e-01;
	v17 =	vsub.f32 $0.0e+00, v6;
	v16 =	vnsel vm15, $0x7F800000, v11;
	[tilespmem:$0x2A0] =	vst v13  }
0x17: {  	v21 =	vld [tilespmem:$0xB0];
	vm5 =	vgt.f32 v6, $5.000000000e-01;
	v20 =	vsub.f32 $0.0e+00, v7;
	v19 =	vnsel vm4, $0x7F800000, v14;
	[tilespmem:$0x2B0] =	vst v16  }
0x18: {  	v24 =	vld [tilespmem:$0xC0];
	vm6 =	vgt.f32 v7, $5.000000000e-01;
	v23 =	vsub.f32 $0.0e+00, v8;
	v22 =	vnsel vm5, $0x7F800000, v17;
	[tilespmem:$0x2C0] =	vst v19  }
0x19: {  	v27 =	vld [tilespmem:$0xD0];
	vm7 =	vgt.f32 v8, $5.000000000e-01;
	v26 =	vsub.f32 $0.0e+00, v12;
	v25 =	vnsel vm6, $0x7F800000, v20;
	[tilespmem:$0x2D0] =	vst v22  }
0x1a: {  	v30 =	vld [tilespmem:$0xE0];
	vm8 =	vgt.f32 v12, $5.000000000e-01;
	v29 =	vsub.f32 $0.0e+00, v15;
	v28 =	vnsel vm7, $0x7F800000, v23;
	[tilespmem:$0x2E0] =	vst v25  }
0x1b: {  	v33 =	vld [tilespmem:$0xF0];
	vm9 =	vgt.f32 v15, $5.000000000e-01;
	v32 =	vsub.f32 $0.0e+00, v18;
	v31 =	vnsel vm8, $0x7F800000, v26;
	[tilespmem:$0x2F0] =	vst v28  }
0x1c: {  	v36 =	vld [tilespmem:$0x100];
	vm10 =	vgt.f32 v18, $5.000000000e-01;
	v35 =	vsub.f32 $0.0e+00, v21;
	v34 =	vnsel vm9, $0x7F800000, v29;
	[tilespmem:$0x300] =	vst v31  }
0x1d: {  	v39 =	vld [tilespmem:$0x110];
	vm11 =	vgt.f32 v21, $5.000000000e-01;
	v38 =	vsub.f32 $0.0e+00, v24;
	v37 =	vnsel vm10, $0x7F800000, v32;
	[tilespmem:$0x310] =	vst v34  }
0x1e: {  	v42 =	vld [tilespmem:$0x120];
	vm12 =	vgt.f32 v24, $5.000000000e-01;
	v41 =	vsub.f32 $0.0e+00, v27;
	v40 =	vnsel vm11, $0x7F800000, v35;
	[tilespmem:$0x320] =	vst v37  }
0x1f: {  	v45 =	vld [tilespmem:$0x130];
	v44 =	vsub.f32 $0.0e+00, v30;
	v43 =	vnsel vm12, $0x7F800000, v38;
	vm13 =	vgt.f32 v27, $5.000000000e-01;
	[tilespmem:$0x330] =	vst v40  }
0x20: {  	v48 =	vld [tilespmem:$0x140];
	v47 =	vsub.f32 $0.0e+00, v33;
	vm14 =	vgt.f32 v30, $5.000000000e-01;
	[tilespmem:$0x340] =	vst v43;
	v46 =	vnsel vm13, $0x7F800000, v41  }
0x21: {  	v51 =	vld [tilespmem:$0x150];
	v50 =	vsub.f32 $0.0e+00, v36;
	vm15 =	vgt.f32 v33, $5.000000000e-01;
	v49 =	vnsel vm14, $0x7F800000, v44;
	[tilespmem:$0x350] =	vst v46  }
0x22: {  	v54 =	vld [tilespmem:$0x160];
	v53 =	vsub.f32 $0.0e+00, v39;
	vm4 =	vgt.f32 v36, $5.000000000e-01;
	v52 =	vnsel vm15, $0x7F800000, v47;
	[tilespmem:$0x360] =	vst v49  }
0x23: {  	v57 =	vld [tilespmem:$0x170];
	v56 =	vsub.f32 $0.0e+00, v42;
	vm5 =	vgt.f32 v39, $5.000000000e-01;
	v55 =	vnsel vm4, $0x7F800000, v50;
	[tilespmem:$0x370] =	vst v52  }
0x24: {  	v60 =	vld [tilespmem:$0x180];
	v59 =	vsub.f32 $0.0e+00, v45;
	vm6 =	vgt.f32 v42, $5.000000000e-01;
	v58 =	vnsel vm5, $0x7F800000, v53;
	[tilespmem:$0x380] =	vst v55  }
0x25: {  	v12 =	vld [tilespmem:$0x1A0];
	vm7 =	vgt.f32 v45, $5.000000000e-01;
	v62 =	vsub.f32 $0.0e+00, v48;
	v61 =	vnsel vm6, $0x7F800000, v56;
	[tilespmem:$0x390] =	vst v58  }
0x26: {  	v15 =	vld [tilespmem:$0x1B0];
	vm8 =	vgt.f32 v48, $5.000000000e-01;
	v11 =	vsub.f32 $0.0e+00, v51;
	v10 =	vnsel vm7, $0x7F800000, v59;
	[tilespmem:$0x3A0] =	vst v61  }
0x27: {  	v18 =	vld [tilespmem:$0x1C0];
	vm9 =	vgt.f32 v51, $5.000000000e-01;
	v14 =	vsub.f32 $0.0e+00, v54;
	[tilespmem:$0x3B0] =	vst v10;
	v13 =	vnsel vm8, $0x7F800000, v62  }
0x28: {  	v21 =	vld [tilespmem:$0x1D0];
	vm10 =	vgt.f32 v54, $5.000000000e-01;
	v17 =	vsub.f32 $0.0e+00, v57;
	v16 =	vnsel vm9, $0x7F800000, v11;
	[tilespmem:$0x3C0] =	vst v13  }
0x29: {  	v24 =	vld [tilespmem:$0x1E0];
	vm11 =	vgt.f32 v57, $5.000000000e-01;
	v20 =	vsub.f32 $0.0e+00, v60;
	v19 =	vnsel vm10, $0x7F800000, v14;
	[tilespmem:$0x3D0] =	vst v16  }
0x2a: {  	v63 =	vld [tilespmem:$0x190];
	vm12 =	vgt.f32 v60, $5.000000000e-01;
	v22 =	vnsel vm11, $0x7F800000, v17;
	[tilespmem:$0x3E0] =	vst v19;
	v26 =	vsub.f32 $0.0e+00, v12  }
0x2b: {  	v27 =	vld [tilespmem:$0x1F0];
	v25 =	vnsel vm12, $0x7F800000, v20;
	[tilespmem:$0x3F0] =	vst v22;
	vm14 =	vgt.f32 v12, $5.000000000e-01;
	v29 =	vsub.f32 $0.0e+00, v15  }
0x2c: {  	v30 =	vld [tilespmem:$0x200];
	[tilespmem:$0x400] =	vst v25;
	vm15 =	vgt.f32 v15, $5.000000000e-01;
	v32 =	vsub.f32 $0.0e+00, v18;
	v31 =	vnsel vm14, $0x7F800000, v26  }
0x2d: {  	v33 =	vld [tilespmem:$0x210];
	vm4 =	vgt.f32 v18, $5.000000000e-01;
	v35 =	vsub.f32 $0.0e+00, v21;
	v34 =	vnsel vm15, $0x7F800000, v29;
	[tilespmem:$0x420] =	vst v31  }
0x2e: {  	v36 =	vld [tilespmem:$0x220];
	vm5 =	vgt.f32 v21, $5.000000000e-01;
	v38 =	vsub.f32 $0.0e+00, v24;
	v37 =	vnsel vm4, $0x7F800000, v32;
	[tilespmem:$0x430] =	vst v34  }
0x2f: {  	v39 =	vld [tilespmem:$0x230];
	vm6 =	vgt.f32 v24, $5.000000000e-01;
	v23 =	vsub.f32 $0.0e+00, v63;
	v40 =	vnsel vm5, $0x7F800000, v35;
	[tilespmem:$0x440] =	vst v37  }
0x30: {  	v42 =	vld [tilespmem:$0x240];
	vm13 =	vgt.f32 v63, $5.000000000e-01;
	v41 =	vsub.f32 $0.0e+00, v27;
	v43 =	vnsel vm6, $0x7F800000, v38;
	[tilespmem:$0x450] =	vst v40  }
0x31: {  	v48 =	vld [tilespmem:$0x260];
	vm7 =	vgt.f32 v27, $5.000000000e-01;
	v44 =	vsub.f32 $0.0e+00, v30;
	[tilespmem:$0x460] =	vst v43;
	v28 =	vnsel vm13, $0x7F800000, v23  }
0x32: {  	v51 =	vld [tilespmem:$0x270];
	vm8 =	vgt.f32 v30, $5.000000000e-01;
	v47 =	vsub.f32 $0.0e+00, v33;
	v46 =	vnsel vm7, $0x7F800000, v41;
	[tilespmem:$0x410] =	vst v28  }
0x33: {  	v45 =	vld [tilespmem:$0x250];
	vm9 =	vgt.f32 v33, $5.000000000e-01;
	v50 =	vsub.f32 $0.0e+00, v36;
	v49 =	vnsel vm8, $0x7F800000, v44;
	[tilespmem:$0x470] =	vst v46  }
0x34: {  	vm10 =	vgt.f32 v36, $5.000000000e-01;
	v53 =	vsub.f32 $0.0e+00, v39;
	v52 =	vnsel vm9, $0x7F800000, v47;
	[tilespmem:$0x480] =	vst v49  }
0x35: {  	vm11 =	vgt.f32 v39, $5.000000000e-01;
	v55 =	vsub.f32 $0.0e+00, v42;
	v54 =	vnsel vm10, $0x7F800000, v50;
	[tilespmem:$0x490] =	vst v52  }
0x36: {  	vm12 =	vgt.f32 v42, $5.000000000e-01;
	v59 =	vsub.f32 $0.0e+00, v48;
	v56 =	vnsel vm11, $0x7F800000, v53;
	[tilespmem:$0x4A0] =	vst v54  }
0x37: {  	vm14 =	vgt.f32 v48, $5.000000000e-01;
	v61 =	vsub.f32 $0.0e+00, v51;
	v58 =	vnsel vm12, $0x7F800000, v55;
	[tilespmem:$0x4B0] =	vst v56  }
0x38: {  	v57 =	vsub.f32 $0.0e+00, v45;
	vm15 =	vgt.f32 v51, $5.000000000e-01;
	v62 =	vnsel vm14, $0x7F800000, v59;
	[tilespmem:$0x4C0] =	vst v58  }
0x39: {  	vm13 =	vgt.f32 v45, $5.000000000e-01;
	v63 =	vnsel vm15, $0x7F800000, v61;
	[tilespmem:$0x4E0] =	vst v62  }
0x3a: {  	p0 =	sne.s32 s5, $0x1;
	v60 =	vnsel vm13, $0x7F800000, v57;
	[tilespmem:$0x4F0] =	vst v63  }
.Ltmp0:
0x3b: {  	[tilespmem:$0x4D0] =	vst v60;
	(pc) =	sbr.rel @p0 .LBB2_1-.Ltmp0, $4  }
0x3c: {  	[hbm4b:s4+s2] =	stream.linear.scatter [tilespmem:s7], [sflag:$0x1], $0x280, $0x38;
	[tilespmem:$0x500] =	vst v63  }
0x3d: {  	_ =	swait.ge [sflag:s6], $0x280  }
0x3e: {  	[sflag:s6] =	ssyncset.done $0x0  }
0x3f: {  	s5 =	sadd.s32 $0xFFFFFFFF, s5;
	[sflag:s6] =	ssyncadd.s32 $0xFFFFFD80  }
0x40: {  	_ =	sfence.sel $0x180000  }
0x41: {  	[bflag:$0x0] =	sbarrier.arrive $0xFFFF  }
0x42: {  	p0 =	sne.s32 s0, $0x0;
	_ =	strace $0x90000047  }
0x43: {  	s0 =	sadd.s32 @!p0 $0x100000, s1;
	[bflag:$0x2] =	sbarrier.arrive $0xFFFF  }
0x44: {  	[sflag:s0] =	ssyncadd.tile.s32 @!p0 $0x1;
	_ =	shalt  }
.Lfunc_end2:
_tile_overlayer_lowered:
.L_overlay_start_2:
0x45: {  	(tag) =	ssettag $0x2  }
0x46: {  	s0 =	rddreg [dreg:$0x0];
	s2 =	stileid.u32  }
0x47: {  	s1 =	rddreg [dreg:$0x1];
	p0 =	sne.s32 s2, $0x0  }
0x48: {  	s3 =	rddreg [dreg:$0x2];
	[bflag:$0x3] =	sbarrier.arrive $0xFFFF;
	s2 =	simm.s32 @!p0 $0x1C01  }
0x49: {  	[timem:s3], [sflag:s2] =	dma.local @!p0 [hbm:s0], s1  }
0x4a: {  	s0 =	simm.s32 @!p0 $0x1  }
0x4b: {  	_ =	swait.ge @!p0 [sflag:s0], s1  }
0x4c: {  	s1 =	ssub.s32 @!p0 $0x0, s1;
	[sflag:s0] =	ssyncset.done @!p0 $0x0  }
0x4d: {  	[sflag:s0] =	ssyncadd.s32 @!p0 s1  }
0x4e: {  	[bflag:$0x3] =	sbarrier.arrive $0xFFFF  }
0x4f: {  	_ =	shalt  }

</sc_bundles>
